<compile_context>
chip_gen: v7x
topology: tpu7x:2x2x1
jax: 0.10.2.dev20260603
libtpu: 0.0.44.dev20260713+nightly
codegen_flags: <defaults>
</compile_context>

<pallas_src>
import jax
import jax.numpy as jnp
from jax.experimental import pallas as pl
from jax.experimental.pallas import tpu as pltpu
from jax.experimental.pallas import tpu_sc as plsc
import functools

_N, _D, _H = 2048, 1024, 16
_HD = _D // _H
_C = 128
_G = _N // _C
_HALF = _HD // 2
_BASE = 10000.0
_SCALE = 1.0 / (_HD ** 0.5)
_NEG = -1e30


def _proj_qk_kernel(x_ref, wq_ref, wk_ref, cos_ref, sin_ref,
                    q_ref, k_ref, kc_ref):
    xb = x_ref[...]
    q = jnp.dot(xb, wq_ref[...], preferred_element_type=jnp.float32)
    k = jnp.dot(xb, wk_ref[...], preferred_element_type=jnp.float32)

    cos = cos_ref[...][:, None, :]
    sin = sin_ref[...][:, None, :]

    def rope(t):
        t = t.reshape(_C, _H, _HD)
        t1 = t[..., :_HALF]
        t2 = t[..., _HALF:]
        return jnp.concatenate([t1 * cos - t2 * sin, t1 * sin + t2 * cos],
                               axis=-1)

    qr = rope(q)
    kr = rope(k)
    q_ref[...] = qr.transpose(1, 0, 2)
    k_ref[...] = kr.transpose(1, 0, 2)
    kc_ref[...] = jnp.mean(kr, axis=0).reshape(_H, 1, 1, _HD)


def _proj_vg_kernel(x_ref, wv_ref, wg_ref, v_ref, g_ref):
    xb = x_ref[...]
    v = jnp.dot(xb, wv_ref[...], preferred_element_type=jnp.float32)
    g = jnp.dot(xb, wg_ref[...], preferred_element_type=jnp.float32)

    v3 = v.reshape(_C, _H, _HD).transpose(1, 0, 2)
    ones = jnp.ones((_H, _C, 1), dtype=jnp.float32)
    zeros = jnp.zeros((_H, _C, _C - _HD - 1), dtype=jnp.float32)
    v_ref[...] = jnp.concatenate([v3, ones, zeros], axis=-1)

    g2 = g.reshape(_C, _H, 2)
    a0 = g2[..., 0:1]
    a1 = g2[..., 1:2]
    mx = jnp.maximum(a0, a1)
    e0 = jnp.exp(a0 - mx)
    e1 = jnp.exp(a1 - mx)
    den = e0 + e1
    g_ref[...] = (jnp.concatenate([e0, e1], axis=-1) / den).transpose(1, 0, 2)


def _score_kernel(q_ref, kc_ref, s_ref):
    kc = kc_ref[0].reshape(_G, _HD)
    q = q_ref[0]
    s_ref[0] = jax.lax.dot_general(kc, q, (((1,), (1,)), ((), ())),
                                   preferred_element_type=jnp.float32)


_TOKS = _N // 2
_VL = 16


def _sc_top2_kernel(score_hbm, bias_hbm, sin_v, bout_v, sem):
    w = jax.lax.axis_index("s") * 2 + jax.lax.axis_index("c")
    h = w % _H
    half = w // _H
    tok0 = half * _TOKS
    pltpu.sync_copy(score_hbm.at[h, :, pl.ds(tok0, _TOKS)], sin_v)

    def body(j, _):
        base = j * _VL
        own = (tok0 + base) // _C
        sc = []
        for g in range(_G):
            pen = jnp.where(own == g, _NEG, 0.0)
            sc.append(sin_v[g, pl.ds(base, _VL)] + pen)
        m1 = sc[0]
        for g in range(1, _G):
            m1 = jnp.maximum(m1, sc[g])
        i1 = jnp.full((_VL,), _G, jnp.int32)
        for g in reversed(range(_G)):
            i1 = jnp.where(sc[g] == m1, jnp.int32(g), i1)
        m2 = jnp.full((_VL,), _NEG, jnp.float32)
        for g in range(_G):
            m2 = jnp.maximum(m2, jnp.where(i1 == g, _NEG, sc[g]))
        i2 = jnp.full((_VL,), _G, jnp.int32)
        for g in reversed(range(_G)):
            i2 = jnp.where((sc[g] == m2) & (i1 != g), jnp.int32(g), i2)
        for g in range(_G):
            bout_v[g, pl.ds(base, _VL)] = jnp.where(
                (i1 == g) | (i2 == g), 0.0, _NEG).astype(jnp.float32)
        return 0

    jax.lax.fori_loop(0, _TOKS // _VL, body, 0)
    pltpu.sync_copy(bout_v, bias_hbm.at[h, :, pl.ds(tok0, _TOKS)])


def _sc_top2(score):
    mesh = plsc.VectorSubcoreMesh(core_axis_name="c", subcore_axis_name="s")
    kern = functools.partial(
        pl.kernel,
        mesh=mesh,
        out_type=jax.ShapeDtypeStruct((_H, _G, _N), jnp.float32),
        scratch_types=[
            pltpu.VMEM((_G, _TOKS), jnp.float32),
            pltpu.VMEM((_G, _TOKS), jnp.float32),
            pltpu.SemaphoreType.DMA,
        ],
    )(_sc_top2_kernel)
    return kern(score)


_QB = 4 * _C


def _attn_kernel(q_ref, k_ref, v_ref, b_ref, g_ref, ex_ref, o_ref):
    blk = pl.program_id(1)

    ri = jax.lax.broadcasted_iota(jnp.int32, (_QB, _QB), 0)
    ci = jax.lax.broadcasted_iota(jnp.int32, (_QB, _QB), 1)
    causal = (ci <= ri) & (ri // _C == ci // _C)
    ex = ex_ref[...]

    outs = []
    for hh in (0, 1):
        q = q_ref[hh]
        kb = k_ref[hh]
        vb = v_ref[hh]
        sc = jax.lax.dot_general(q, kb, (((1,), (1,)), ((), ())),
                                 preferred_element_type=jnp.float32) * _SCALE

        bias = jax.lax.dot_general(b_ref[hh], ex, (((0,), (0,)), ((), ())),
                                   preferred_element_type=jnp.float32)
        pr = jnp.exp(sc + bias)
        o_aug = jax.lax.dot_general(pr, vb, (((1,), (0,)), ((), ())),
                                    preferred_element_type=jnp.float32)

        k_own = k_ref[hh, pl.ds(blk * _QB, _QB), :]
        v_own = v_ref[hh, pl.ds(blk * _QB, _QB), :]
        s_own = jax.lax.dot_general(q, k_own, (((1,), (1,)), ((), ())),
                                    preferred_element_type=jnp.float32) * _SCALE
        p_in = jnp.exp(jnp.where(causal, s_own, _NEG))
        o_in_aug = jax.lax.dot_general(p_in, v_own, (((1,), (0,)), ((), ())),
                                       preferred_element_type=jnp.float32)

        gb = g_ref[hh]
        g0 = gb[:, 0:1]
        g1 = gb[:, 1:2]
        l = o_aug[:, _HD:_HD + 1]
        l_in = o_in_aug[:, _HD:_HD + 1]
        outs.append(o_aug[:, :_HD] * (g0 / l)
                    + o_in_aug[:, :_HD] * (g1 / l_in))

    o_ref[...] = jnp.concatenate(outs, axis=-1)


def _out_kernel(o_ref, wo_ref, out_ref):
    out_ref[...] = jnp.dot(o_ref[...], wo_ref[...],
                           preferred_element_type=jnp.float32)


def kernel(x, Wq, Wk, Wv, Wo, Wg):
    xb = x[0]
    pos = jnp.arange(_N, dtype=jnp.float32)
    freqs = 1.0 / (_BASE ** (jnp.arange(_HALF, dtype=jnp.float32) / _HALF))
    ang = pos[:, None] * freqs[None, :]
    cos = jnp.cos(ang)
    sin = jnp.sin(ang)

    q, k, kc = pl.pallas_call(
        _proj_qk_kernel,
        grid=(_G,),
        in_specs=[
            pl.BlockSpec((_C, _D), lambda i: (i, 0)),
            pl.BlockSpec((_D, _D), lambda i: (0, 0)),
            pl.BlockSpec((_D, _D), lambda i: (0, 0)),
            pl.BlockSpec((_C, _HALF), lambda i: (i, 0)),
            pl.BlockSpec((_C, _HALF), lambda i: (i, 0)),
        ],
        out_specs=[
            pl.BlockSpec((_H, _C, _HD), lambda i: (0, i, 0)),
            pl.BlockSpec((_H, _C, _HD), lambda i: (0, i, 0)),
            pl.BlockSpec((_H, 1, 1, _HD), lambda i: (0, i, 0, 0)),
        ],
        out_shape=[
            jax.ShapeDtypeStruct((_H, _N, _HD), jnp.float32),
            jax.ShapeDtypeStruct((_H, _N, _HD), jnp.float32),
            jax.ShapeDtypeStruct((_H, _G, 1, _HD), jnp.float32),
        ],
    )(xb, Wq, Wk, cos, sin)

    score = pl.pallas_call(
        _score_kernel,
        grid=(_H,),
        in_specs=[
            pl.BlockSpec((1, _N, _HD), lambda h: (h, 0, 0)),
            pl.BlockSpec((1, _G, 1, _HD), lambda h: (h, 0, 0, 0)),
        ],
        out_specs=pl.BlockSpec((1, _G, _N), lambda h: (h, 0, 0)),
        out_shape=jax.ShapeDtypeStruct((_H, _G, _N), jnp.float32),
    )(q, kc)
    bias = _sc_top2(score)

    v, gates = pl.pallas_call(
        _proj_vg_kernel,
        grid=(_G,),
        in_specs=[
            pl.BlockSpec((_C, _D), lambda i: (i, 0)),
            pl.BlockSpec((_D, _D), lambda i: (0, 0)),
            pl.BlockSpec((_D, 2 * _H), lambda i: (0, 0)),
        ],
        out_specs=[
            pl.BlockSpec((_H, _C, _C), lambda i: (0, i, 0)),
            pl.BlockSpec((_H, _C, 2), lambda i: (0, i, 0)),
        ],
        out_shape=[
            jax.ShapeDtypeStruct((_H, _N, _C), jnp.float32),
            jax.ShapeDtypeStruct((_H, _N, 2), jnp.float32),
        ],
    )(xb, Wv, Wg)

    gidx = jnp.arange(_G, dtype=jnp.int32)[:, None]
    expand = (jnp.arange(_N, dtype=jnp.int32)[None, :] // _C
              == gidx).astype(jnp.float32)

    o2 = pl.pallas_call(
        _attn_kernel,
        grid=(_H // 2, _N // _QB),
        in_specs=[
            pl.BlockSpec((2, _QB, _HD), lambda h, i: (h, i, 0)),
            pl.BlockSpec((2, _N, _HD), lambda h, i: (h, 0, 0)),
            pl.BlockSpec((2, _N, _C), lambda h, i: (h, 0, 0)),
            pl.BlockSpec((2, _G, _QB), lambda h, i: (h, 0, i)),
            pl.BlockSpec((2, _QB, 2), lambda h, i: (h, i, 0)),
            pl.BlockSpec((_G, _N), lambda h, i: (0, 0)),
        ],
        out_specs=pl.BlockSpec((_QB, 2 * _HD), lambda h, i: (i, h)),
        out_shape=jax.ShapeDtypeStruct((_N, _D), jnp.float32),
    )(q, k, v, bias, gates, expand)

    out = pl.pallas_call(
        _out_kernel,
        grid=(8,),
        in_specs=[
            pl.BlockSpec((_N // 8, _D), lambda i: (i, 0)),
            pl.BlockSpec((_D, _D), lambda i: (0, 0)),
        ],
        out_specs=pl.BlockSpec((_N // 8, _D), lambda i: (i, 0)),
        out_shape=jax.ShapeDtypeStruct((_N, _D), jnp.float32),
    )(o2, Wo)
    return out[None]

# --- scband reference (transcript-rebuilt; emitter-appended) ---
"""Pipeline reference for scband-simple-sparse-attention-74105365725867 (READ-ONLY COPY).

The authoritative reference and input builder live on the scoring server;
editing this copy changes nothing except your own understanding.
"""

import jax, jax.numpy as jnp
import numpy as np

B, N, D, H = 1, 2048, 1024, 16
HD = D // H
C = 128
TOPK = 2
BASE = 10000.0


def _rope(x, offset=0):
    # x: [b, n, h, hd]; rotary positional embedding (lrpe_type=1)
    n = x.shape[1]
    d = x.shape[-1]
    half = d // 2
    freqs = 1.0 / (BASE ** (jnp.arange(half, dtype=jnp.float32) / half))
    pos = jnp.arange(offset, offset + n, dtype=jnp.float32)
    ang = pos[:, None] * freqs[None, :]
    cos = jnp.cos(ang)[None, :, None, :]
    sin = jnp.sin(ang)[None, :, None, :]
    x1, x2 = x[..., :half], x[..., half:]
    return jnp.concatenate([x1 * cos - x2 * sin, x1 * sin + x2 * cos], axis=-1)


def setup_inputs(seed: int = 0):
    key = jax.random.key(seed)
    ks = jax.random.split(key, 6)
    s = 0.02
    x = jax.random.normal(ks[0], (B, N, D), dtype=jnp.float32)
    Wq = jax.random.normal(ks[1], (D, D), dtype=jnp.float32) * s
    Wk = jax.random.normal(ks[2], (D, D), dtype=jnp.float32) * s
    Wv = jax.random.normal(ks[3], (D, D), dtype=jnp.float32) * s
    Wo = jax.random.normal(ks[4], (D, D), dtype=jnp.float32) * s
    Wg = jax.random.normal(ks[5], (D, 2 * H), dtype=jnp.float32) * s
    return {"x": x, "Wq": Wq, "Wk": Wk, "Wv": Wv, "Wo": Wo, "Wg": Wg}


def reference(x, Wq, Wk, Wv, Wo, Wg):
    b, n, d = x.shape
    c = C
    G = n // c
    q = (x @ Wq).reshape(b, n, H, HD)
    k = (x @ Wk).reshape(b, n, H, HD)
    v = (x @ Wv).reshape(b, n, H, HD)
    gate = (x @ Wg).reshape(b, n, H, 2)
    gate = jax.nn.softmax(gate, axis=-1)
    q = _rope(q)
    k = _rope(k)
    k_ = k.reshape(b, G, c, H, HD)
    v_ = v.reshape(b, G, c, H, HD)
    # compressed per-chunk keys for selection
    k_compress = k_.mean(axis=2)  # [b, G, h, hd]
    score = jnp.einsum('bnhd,bghd->bhng', q, k_compress)
    idx = jnp.arange(n, dtype=jnp.int32)[:, None]
    arr = jnp.arange(G, dtype=jnp.int32)[None, :]
    own_mask = (idx >= c * arr) & (idx < c * (arr + 1))  # [n, G] True = own chunk
    score = jnp.where(own_mask[None, None], -jnp.inf, score)
    _, top_idx = jax.lax.top_k(score, TOPK)  # [b, h, n, k]
    sel = jnp.zeros((b, H, n, G), dtype=bool)
    sel = sel.at[jnp.arange(b)[:, None, None, None],
                 jnp.arange(H)[None, :, None, None],
                 jnp.arange(n)[None, None, :, None],
                 top_idx].set(True)
    tok_sel = jnp.repeat(sel, c, axis=-1)  # [b, h, n, n]
    scale = 1.0 / jnp.sqrt(jnp.float32(HD))
    # inter: attention restricted to selected chunks (gathered sparse attention)
    s_inter = jnp.einsum('bnhd,bmhd->bhnm', q, k) * scale
    s_inter = jnp.where(tok_sel, s_inter, -jnp.inf)
    p_inter = jax.nn.softmax(s_inter, axis=-1)
    o_inter = jnp.einsum('bhnm,bmhd->bnhd', p_inter, v)
    # intra: block-local causal attention within each chunk
    q_ = q.reshape(b, G, c, H, HD)
    s_intra = jnp.einsum('bgihd,bgjhd->bghij', q_, k_) * scale
    causal = jnp.tril(jnp.ones((c, c), dtype=bool))
    s_intra = jnp.where(causal[None, None, None], s_intra, -jnp.inf)
    p_intra = jax.nn.softmax(s_intra, axis=-1)
    o_intra = jnp.einsum('bghij,bgjhd->bgihd', p_intra, v_).reshape(b, n, H, HD)
    o = gate[..., 0:1] * o_inter + gate[..., 1:2] * o_intra
    out = o.reshape(b, n, d) @ Wo
    return out


if False:  # reference __main__ guard neutralized (emitter)
    inp = setup_inputs()
    out = reference(**inp)
    print(out.shape, out.dtype)

if __name__ == "__main__":
    import jax
    _d = setup_inputs()
    print(jax.jit(kernel)(*tuple(_d.values())))

</pallas_src>

<mosaic_0001>
#map = affine_map<(d0, d1) -> (0, 0, 0)>
module attributes {stable_mosaic.version = 14 : i64} {
  func.func @_sc_top2_kernel(%arg0: i32, %arg1: i32, %arg2: memref<16x16x2048xf32, #tpu.memory_space<hbm>>, %arg3: memref<16x16x2048xf32, #tpu.memory_space<hbm>>, %arg4: memref<16x1024xf32, #tpu.memory_space<vmem>>, %arg5: memref<16x1024xf32, #tpu.memory_space<vmem>>, %arg6: memref<!tpu.dma_semaphore, #tpu.memory_space<semaphore_mem>>) attributes {dimension_semantics = [#tpu.dimension_semantics<core_parallel>, #tpu.dimension_semantics<subcore_parallel>], iteration_bounds = array<i64: 2, 16>, scalar_prefetch = 0 : i64, scratch_operands = 3 : i64, tpu.core_type = #tpu.core_type<sc_vector_subcore>, window_params = [{transform_indices = #map}, {transform_indices = #map}]} {
    %mul3A = arith.constant 2 : i32
    %mul3A_0 = arith.muli %arg1, %mul3A : i32
    %add3A = arith.addi %mul3A_0, %arg0 : i32
    %jit3A = arith.constant 16 : i32
    %eq3A = arith.constant 0 : i32
    %eq3A_1 = arith.cmpi eq, %jit3A, %eq3A : i32
    %jit3A_2 = arith.constant 1 : i32
    %select_n3A = arith.select %eq3A_1, %jit3A_2, %jit3A : i32
    %rem3A = arith.remsi %add3A, %select_n3A : i32
    %ne3A = arith.constant 0 : i32
    %ne3A_3 = arith.cmpi ne, %rem3A, %ne3A : i32
    %lt3A = arith.constant 0 : i32
    %lt3A_4 = arith.cmpi slt, %rem3A, %lt3A : i32
    %lt3A_5 = arith.constant 0 : i32
    %lt3A_6 = arith.cmpi slt, %select_n3A, %lt3A_5 : i32
    %ne3A_7 = arith.xori %lt3A_4, %lt3A_6 : i1
    %and3A = arith.andi %ne3A_7, %ne3A_3 : i1
    %add3A_8 = arith.addi %rem3A, %select_n3A : i32
    %select_n3A_9 = arith.select %and3A, %add3A_8, %rem3A : i32
    %jit3A_10 = arith.constant 16 : i32
    %div3A = arith.divsi %add3A, %jit3A_10 : i32
    %sign3A = arith.constant 0 : i32
    %sign3A_11 = arith.cmpi sgt, %add3A, %sign3A : i32
    %sign3A_12 = arith.extui %sign3A_11 : i1 to i32
    %sign3A_13 = arith.constant 0 : i32
    %sign3A_14 = arith.cmpi slt, %add3A, %sign3A_13 : i32
    %sign3A_15 = arith.extui %sign3A_14 : i1 to i32
    %sign3A_16 = arith.subi %sign3A_12, %sign3A_15 : i32
    %sign3A_17 = arith.constant 0 : i32
    %sign3A_18 = arith.cmpi sgt, %jit3A_10, %sign3A_17 : i32
    %sign3A_19 = arith.extui %sign3A_18 : i1 to i32
    %sign3A_20 = arith.constant 0 : i32
    %sign3A_21 = arith.cmpi slt, %jit3A_10, %sign3A_20 : i32
    %sign3A_22 = arith.extui %sign3A_21 : i1 to i32
    %sign3A_23 = arith.subi %sign3A_19, %sign3A_22 : i32
    %ne3A_24 = arith.cmpi ne, %sign3A_16, %sign3A_23 : i32
    %rem3A_25 = arith.remsi %add3A, %jit3A_10 : i32
    %ne3A_26 = arith.constant 0 : i32
    %ne3A_27 = arith.cmpi ne, %rem3A_25, %ne3A_26 : i32
    %and3A_28 = arith.andi %ne3A_24, %ne3A_27 : i1
    %sub3A = arith.constant 1 : i32
    %sub3A_29 = arith.subi %div3A, %sub3A : i32
    %select_n3A_30 = arith.select %and3A_28, %sub3A_29, %div3A : i32
    %mul3A_31 = arith.constant 1024 : i32
    %mul3A_32 = arith.muli %select_n3A_30, %mul3A_31 : i32
    "tpu.region"() ({
      %run_scoped3A = tpu.sem_alloc : memref<!tpu.dma_semaphore, #tpu.memory_space<semaphore_mem>>
      %dma_start3A = arith.constant 0 : i32
      %dma_start3A_39 = tpu.memref_slice %arg2[%select_n3A_9, %dma_start3A, %mul3A_32] : memref<16x16x2048xf32, #tpu.memory_space<hbm>> -> memref<1x16x1024xf32, #tpu.memory_space<hbm>>
      %dma_start3A_40 = tpu.memref_squeeze %dma_start3A_39 : memref<1x16x1024xf32, #tpu.memory_space<hbm>> -> memref<16x1024xf32, #tpu.memory_space<hbm>>
      %dma_start3A_41 = arith.constant 0 : i32
      %dma_start3A_42 = tpu.memref_slice %arg2[%select_n3A_9, %dma_start3A_41, %mul3A_32] : memref<16x16x2048xf32, #tpu.memory_space<hbm>> -> memref<1x16x1024xf32, #tpu.memory_space<hbm>>
      %dma_start3A_43 = tpu.memref_squeeze %dma_start3A_42 : memref<1x16x1024xf32, #tpu.memory_space<hbm>> -> memref<16x1024xf32, #tpu.memory_space<hbm>>
      tpu.enqueue_dma source(%dma_start3A_43 : memref<16x1024xf32, #tpu.memory_space<hbm>>) target(%arg4 : memref<16x1024xf32, #tpu.memory_space<vmem>>) target_semaphore(%run_scoped3A : memref<!tpu.dma_semaphore, #tpu.memory_space<semaphore_mem>>)
      %dma_wait3A = arith.constant 0 : i32
      %dma_wait3A_44 = tpu.memref_slice %arg2[%select_n3A_9, %dma_wait3A, %mul3A_32] : memref<16x16x2048xf32, #tpu.memory_space<hbm>> -> memref<1x16x1024xf32, #tpu.memory_space<hbm>>
      %dma_wait3A_45 = tpu.memref_squeeze %dma_wait3A_44 : memref<1x16x1024xf32, #tpu.memory_space<hbm>> -> memref<16x1024xf32, #tpu.memory_space<hbm>>
      %dma_wait3A_46 = arith.constant 0 : i32
      %dma_wait3A_47 = tpu.memref_slice %arg2[%select_n3A_9, %dma_wait3A_46, %mul3A_32] : memref<16x16x2048xf32, #tpu.memory_space<hbm>> -> memref<1x16x1024xf32, #tpu.memory_space<hbm>>
      %dma_wait3A_48 = tpu.memref_squeeze %dma_wait3A_47 : memref<1x16x1024xf32, #tpu.memory_space<hbm>> -> memref<16x1024xf32, #tpu.memory_space<hbm>>
      tpu.wait_dma2 semaphore(%run_scoped3A : memref<!tpu.dma_semaphore, #tpu.memory_space<semaphore_mem>>) src(%dma_wait3A_48 : memref<16x1024xf32, #tpu.memory_space<hbm>>) dst(%arg4 : memref<16x1024xf32, #tpu.memory_space<vmem>>)
      tpu.yield
    }) : () -> ()
    %scan3A = arith.constant 0 : i32
    %scan3A_33 = arith.constant 0 : i32
    %scan3A_34 = arith.constant 64 : i32
    %scan3A_35 = arith.addi %scan3A_33, %scan3A_34 : i32
    %scan3A_36 = arith.constant 1 : i32
    %scan3A_37 = scf.for %scan3A_39 = %scan3A_33 to %scan3A_35 step %scan3A_36 iter_args(%scan3A_40 = %scan3A) -> (i32)  : i32 {
      %mul3A_41 = arith.constant 16 : i32
      %mul3A_42 = arith.muli %scan3A_39, %mul3A_41 : i32
      %add3A_43 = arith.addi %mul3A_32, %mul3A_42 : i32
      %jit3A_44 = arith.constant 128 : i32
      %div3A_45 = arith.divsi %add3A_43, %jit3A_44 : i32
      %sign3A_46 = arith.constant 0 : i32
      %sign3A_47 = arith.cmpi sgt, %add3A_43, %sign3A_46 : i32
      %sign3A_48 = arith.extui %sign3A_47 : i1 to i32
      %sign3A_49 = arith.constant 0 : i32
      %sign3A_50 = arith.cmpi slt, %add3A_43, %sign3A_49 : i32
      %sign3A_51 = arith.extui %sign3A_50 : i1 to i32
      %sign3A_52 = arith.subi %sign3A_48, %sign3A_51 : i32
      %sign3A_53 = arith.constant 0 : i32
      %sign3A_54 = arith.cmpi sgt, %jit3A_44, %sign3A_53 : i32
      %sign3A_55 = arith.extui %sign3A_54 : i1 to i32
      %sign3A_56 = arith.constant 0 : i32
      %sign3A_57 = arith.cmpi slt, %jit3A_44, %sign3A_56 : i32
      %sign3A_58 = arith.extui %sign3A_57 : i1 to i32
      %sign3A_59 = arith.subi %sign3A_55, %sign3A_58 : i32
      %ne3A_60 = arith.cmpi ne, %sign3A_52, %sign3A_59 : i32
      %rem3A_61 = arith.remsi %add3A_43, %jit3A_44 : i32
      %ne3A_62 = arith.constant 0 : i32
      %ne3A_63 = arith.cmpi ne, %rem3A_61, %ne3A_62 : i32
      %and3A_64 = arith.andi %ne3A_60, %ne3A_63 : i1
      %sub3A_65 = arith.constant 1 : i32
      %sub3A_66 = arith.subi %div3A_45, %sub3A_65 : i32
      %select_n3A_67 = arith.select %and3A_64, %sub3A_66, %div3A_45 : i32
      %eq3A_68 = arith.constant 0 : i32
      %eq3A_69 = arith.cmpi eq, %select_n3A_67, %eq3A_68 : i32
      %jit3A_70 = arith.constant -1.000000e+30 : f32
      %jit3A_71 = arith.constant 0.000000e+00 : f32
      %select_n3A_72 = arith.select %eq3A_69, %jit3A_70, %jit3A_71 : f32
      %get3A = arith.constant 0 : i32
      %get3A_73 = arith.index_cast %get3A : i32 to index
      %get3A_74 = arith.index_cast %mul3A_42 : i32 to index
      %get3A_75 = tpu.vector_load %arg4[%get3A_73, %get3A_74] {strides = array<i32>} : memref<16x1024xf32, #tpu.memory_space<vmem>>, vector<1x16xf32>,
      %get3A_76 = vector.shape_cast %get3A_75 : vector<1x16xf32> to vector<16xf32>
      %add3A_77 = vector.broadcast %select_n3A_72 : f32 to vector<16xf32>
      %add3A_78 = arith.addf %get3A_76, %add3A_77 : vector<16xf32>
      %eq3A_79 = arith.constant 1 : i32
      %eq3A_80 = arith.cmpi eq, %select_n3A_67, %eq3A_79 : i32
      %jit3A_81 = arith.constant -1.000000e+30 : f32
      %jit3A_82 = arith.constant 0.000000e+00 : f32
      %select_n3A_83 = arith.select %eq3A_80, %jit3A_81, %jit3A_82 : f32
      %get3A_84 = arith.constant 1 : i32
      %get3A_85 = arith.index_cast %get3A_84 : i32 to index
      %get3A_86 = arith.index_cast %mul3A_42 : i32 to index
      %get3A_87 = tpu.vector_load %arg4[%get3A_85, %get3A_86] {strides = array<i32>} : memref<16x1024xf32, #tpu.memory_space<vmem>>, vector<1x16xf32>,
      %get3A_88 = vector.shape_cast %get3A_87 : vector<1x16xf32> to vector<16xf32>
      %add3A_89 = vector.broadcast %select_n3A_83 : f32 to vector<16xf32>
      %add3A_90 = arith.addf %get3A_88, %add3A_89 : vector<16xf32>
      %eq3A_91 = arith.constant 2 : i32
      %eq3A_92 = arith.cmpi eq, %select_n3A_67, %eq3A_91 : i32
      %jit3A_93 = arith.constant -1.000000e+30 : f32
      %jit3A_94 = arith.constant 0.000000e+00 : f32
      %select_n3A_95 = arith.select %eq3A_92, %jit3A_93, %jit3A_94 : f32
      %get3A_96 = arith.constant 2 : i32
      %get3A_97 = arith.index_cast %get3A_96 : i32 to index
      %get3A_98 = arith.index_cast %mul3A_42 : i32 to index
      %get3A_99 = tpu.vector_load %arg4[%get3A_97, %get3A_98] {strides = array<i32>} : memref<16x1024xf32, #tpu.memory_space<vmem>>, vector<1x16xf32>,
      %get3A_100 = vector.shape_cast %get3A_99 : vector<1x16xf32> to vector<16xf32>
      %add3A_101 = vector.broadcast %select_n3A_95 : f32 to vector<16xf32>
      %add3A_102 = arith.addf %get3A_100, %add3A_101 : vector<16xf32>
      %eq3A_103 = arith.constant 3 : i32
      %eq3A_104 = arith.cmpi eq, %select_n3A_67, %eq3A_103 : i32
      %jit3A_105 = arith.constant -1.000000e+30 : f32
      %jit3A_106 = arith.constant 0.000000e+00 : f32
      %select_n3A_107 = arith.select %eq3A_104, %jit3A_105, %jit3A_106 : f32
      %get3A_108 = arith.constant 3 : i32
      %get3A_109 = arith.index_cast %get3A_108 : i32 to index
      %get3A_110 = arith.index_cast %mul3A_42 : i32 to index
      %get3A_111 = tpu.vector_load %arg4[%get3A_109, %get3A_110] {strides = array<i32>} : memref<16x1024xf32, #tpu.memory_space<vmem>>, vector<1x16xf32>,
      %get3A_112 = vector.shape_cast %get3A_111 : vector<1x16xf32> to vector<16xf32>
      %add3A_113 = vector.broadcast %select_n3A_107 : f32 to vector<16xf32>
      %add3A_114 = arith.addf %get3A_112, %add3A_113 : vector<16xf32>
      %eq3A_115 = arith.constant 4 : i32
      %eq3A_116 = arith.cmpi eq, %select_n3A_67, %eq3A_115 : i32
      %jit3A_117 = arith.constant -1.000000e+30 : f32
      %jit3A_118 = arith.constant 0.000000e+00 : f32
      %select_n3A_119 = arith.select %eq3A_116, %jit3A_117, %jit3A_118 : f32
      %get3A_120 = arith.constant 4 : i32
      %get3A_121 = arith.index_cast %get3A_120 : i32 to index
      %get3A_122 = arith.index_cast %mul3A_42 : i32 to index
      %get3A_123 = tpu.vector_load %arg4[%get3A_121, %get3A_122] {strides = array<i32>} : memref<16x1024xf32, #tpu.memory_space<vmem>>, vector<1x16xf32>,
      %get3A_124 = vector.shape_cast %get3A_123 : vector<1x16xf32> to vector<16xf32>
      %add3A_125 = vector.broadcast %select_n3A_119 : f32 to vector<16xf32>
      %add3A_126 = arith.addf %get3A_124, %add3A_125 : vector<16xf32>
      %eq3A_127 = arith.constant 5 : i32
      %eq3A_128 = arith.cmpi eq, %select_n3A_67, %eq3A_127 : i32
      %jit3A_129 = arith.constant -1.000000e+30 : f32
      %jit3A_130 = arith.constant 0.000000e+00 : f32
      %select_n3A_131 = arith.select %eq3A_128, %jit3A_129, %jit3A_130 : f32
      %get3A_132 = arith.constant 5 : i32
      %get3A_133 = arith.index_cast %get3A_132 : i32 to index
      %get3A_134 = arith.index_cast %mul3A_42 : i32 to index
      %get3A_135 = tpu.vector_load %arg4[%get3A_133, %get3A_134] {strides = array<i32>} : memref<16x1024xf32, #tpu.memory_space<vmem>>, vector<1x16xf32>,
      %get3A_136 = vector.shape_cast %get3A_135 : vector<1x16xf32> to vector<16xf32>
      %add3A_137 = vector.broadcast %select_n3A_131 : f32 to vector<16xf32>
      %add3A_138 = arith.addf %get3A_136, %add3A_137 : vector<16xf32>
      %eq3A_139 = arith.constant 6 : i32
      %eq3A_140 = arith.cmpi eq, %select_n3A_67, %eq3A_139 : i32
      %jit3A_141 = arith.constant -1.000000e+30 : f32
      %jit3A_142 = arith.constant 0.000000e+00 : f32
      %select_n3A_143 = arith.select %eq3A_140, %jit3A_141, %jit3A_142 : f32
      %get3A_144 = arith.constant 6 : i32
      %get3A_145 = arith.index_cast %get3A_144 : i32 to index
      %get3A_146 = arith.index_cast %mul3A_42 : i32 to index
      %get3A_147 = tpu.vector_load %arg4[%get3A_145, %get3A_146] {strides = array<i32>} : memref<16x1024xf32, #tpu.memory_space<vmem>>, vector<1x16xf32>,
      %get3A_148 = vector.shape_cast %get3A_147 : vector<1x16xf32> to vector<16xf32>
      %add3A_149 = vector.broadcast %select_n3A_143 : f32 to vector<16xf32>
      %add3A_150 = arith.addf %get3A_148, %add3A_149 : vector<16xf32>
      %eq3A_151 = arith.constant 7 : i32
      %eq3A_152 = arith.cmpi eq, %select_n3A_67, %eq3A_151 : i32
      %jit3A_153 = arith.constant -1.000000e+30 : f32
      %jit3A_154 = arith.constant 0.000000e+00 : f32
      %select_n3A_155 = arith.select %eq3A_152, %jit3A_153, %jit3A_154 : f32
      %get3A_156 = arith.constant 7 : i32
      %get3A_157 = arith.index_cast %get3A_156 : i32 to index
      %get3A_158 = arith.index_cast %mul3A_42 : i32 to index
      %get3A_159 = tpu.vector_load %arg4[%get3A_157, %get3A_158] {strides = array<i32>} : memref<16x1024xf32, #tpu.memory_space<vmem>>, vector<1x16xf32>,
      %get3A_160 = vector.shape_cast %get3A_159 : vector<1x16xf32> to vector<16xf32>
      %add3A_161 = vector.broadcast %select_n3A_155 : f32 to vector<16xf32>
      %add3A_162 = arith.addf %get3A_160, %add3A_161 : vector<16xf32>
      %eq3A_163 = arith.constant 8 : i32
      %eq3A_164 = arith.cmpi eq, %select_n3A_67, %eq3A_163 : i32
      %jit3A_165 = arith.constant -1.000000e+30 : f32
      %jit3A_166 = arith.constant 0.000000e+00 : f32
      %select_n3A_167 = arith.select %eq3A_164, %jit3A_165, %jit3A_166 : f32
      %get3A_168 = arith.constant 8 : i32
      %get3A_169 = arith.index_cast %get3A_168 : i32 to index
      %get3A_170 = arith.index_cast %mul3A_42 : i32 to index
      %get3A_171 = tpu.vector_load %arg4[%get3A_169, %get3A_170] {strides = array<i32>} : memref<16x1024xf32, #tpu.memory_space<vmem>>, vector<1x16xf32>,
      %get3A_172 = vector.shape_cast %get3A_171 : vector<1x16xf32> to vector<16xf32>
      %add3A_173 = vector.broadcast %select_n3A_167 : f32 to vector<16xf32>
      %add3A_174 = arith.addf %get3A_172, %add3A_173 : vector<16xf32>
      %eq3A_175 = arith.constant 9 : i32
      %eq3A_176 = arith.cmpi eq, %select_n3A_67, %eq3A_175 : i32
      %jit3A_177 = arith.constant -1.000000e+30 : f32
      %jit3A_178 = arith.constant 0.000000e+00 : f32
      %select_n3A_179 = arith.select %eq3A_176, %jit3A_177, %jit3A_178 : f32
      %get3A_180 = arith.constant 9 : i32
      %get3A_181 = arith.index_cast %get3A_180 : i32 to index
      %get3A_182 = arith.index_cast %mul3A_42 : i32 to index
      %get3A_183 = tpu.vector_load %arg4[%get3A_181, %get3A_182] {strides = array<i32>} : memref<16x1024xf32, #tpu.memory_space<vmem>>, vector<1x16xf32>,
      %get3A_184 = vector.shape_cast %get3A_183 : vector<1x16xf32> to vector<16xf32>
      %add3A_185 = vector.broadcast %select_n3A_179 : f32 to vector<16xf32>
      %add3A_186 = arith.addf %get3A_184, %add3A_185 : vector<16xf32>
      %eq3A_187 = arith.constant 10 : i32
      %eq3A_188 = arith.cmpi eq, %select_n3A_67, %eq3A_187 : i32
      %jit3A_189 = arith.constant -1.000000e+30 : f32
      %jit3A_190 = arith.constant 0.000000e+00 : f32
      %select_n3A_191 = arith.select %eq3A_188, %jit3A_189, %jit3A_190 : f32
      %get3A_192 = arith.constant 10 : i32
      %get3A_193 = arith.index_cast %get3A_192 : i32 to index
      %get3A_194 = arith.index_cast %mul3A_42 : i32 to index
      %get3A_195 = tpu.vector_load %arg4[%get3A_193, %get3A_194] {strides = array<i32>} : memref<16x1024xf32, #tpu.memory_space<vmem>>, vector<1x16xf32>,
      %get3A_196 = vector.shape_cast %get3A_195 : vector<1x16xf32> to vector<16xf32>
      %add3A_197 = vector.broadcast %select_n3A_191 : f32 to vector<16xf32>
      %add3A_198 = arith.addf %get3A_196, %add3A_197 : vector<16xf32>
      %eq3A_199 = arith.constant 11 : i32
      %eq3A_200 = arith.cmpi eq, %select_n3A_67, %eq3A_199 : i32
      %jit3A_201 = arith.constant -1.000000e+30 : f32
      %jit3A_202 = arith.constant 0.000000e+00 : f32
      %select_n3A_203 = arith.select %eq3A_200, %jit3A_201, %jit3A_202 : f32
      %get3A_204 = arith.constant 11 : i32
      %get3A_205 = arith.index_cast %get3A_204 : i32 to index
      %get3A_206 = arith.index_cast %mul3A_42 : i32 to index
      %get3A_207 = tpu.vector_load %arg4[%get3A_205, %get3A_206] {strides = array<i32>} : memref<16x1024xf32, #tpu.memory_space<vmem>>, vector<1x16xf32>,
      %get3A_208 = vector.shape_cast %get3A_207 : vector<1x16xf32> to vector<16xf32>
      %add3A_209 = vector.broadcast %select_n3A_203 : f32 to vector<16xf32>
      %add3A_210 = arith.addf %get3A_208, %add3A_209 : vector<16xf32>
      %eq3A_211 = arith.constant 12 : i32
      %eq3A_212 = arith.cmpi eq, %select_n3A_67, %eq3A_211 : i32
      %jit3A_213 = arith.constant -1.000000e+30 : f32
      %jit3A_214 = arith.constant 0.000000e+00 : f32
      %select_n3A_215 = arith.select %eq3A_212, %jit3A_213, %jit3A_214 : f32
      %get3A_216 = arith.constant 12 : i32
      %get3A_217 = arith.index_cast %get3A_216 : i32 to index
      %get3A_218 = arith.index_cast %mul3A_42 : i32 to index
      %get3A_219 = tpu.vector_load %arg4[%get3A_217, %get3A_218] {strides = array<i32>} : memref<16x1024xf32, #tpu.memory_space<vmem>>, vector<1x16xf32>,
      %get3A_220 = vector.shape_cast %get3A_219 : vector<1x16xf32> to vector<16xf32>
      %add3A_221 = vector.broadcast %select_n3A_215 : f32 to vector<16xf32>
      %add3A_222 = arith.addf %get3A_220, %add3A_221 : vector<16xf32>
      %eq3A_223 = arith.constant 13 : i32
      %eq3A_224 = arith.cmpi eq, %select_n3A_67, %eq3A_223 : i32
      %jit3A_225 = arith.constant -1.000000e+30 : f32
      %jit3A_226 = arith.constant 0.000000e+00 : f32
      %select_n3A_227 = arith.select %eq3A_224, %jit3A_225, %jit3A_226 : f32
      %get3A_228 = arith.constant 13 : i32
      %get3A_229 = arith.index_cast %get3A_228 : i32 to index
      %get3A_230 = arith.index_cast %mul3A_42 : i32 to index
      %get3A_231 = tpu.vector_load %arg4[%get3A_229, %get3A_230] {strides = array<i32>} : memref<16x1024xf32, #tpu.memory_space<vmem>>, vector<1x16xf32>,
      %get3A_232 = vector.shape_cast %get3A_231 : vector<1x16xf32> to vector<16xf32>
      %add3A_233 = vector.broadcast %select_n3A_227 : f32 to vector<16xf32>
      %add3A_234 = arith.addf %get3A_232, %add3A_233 : vector<16xf32>
      %eq3A_235 = arith.constant 14 : i32
      %eq3A_236 = arith.cmpi eq, %select_n3A_67, %eq3A_235 : i32
      %jit3A_237 = arith.constant -1.000000e+30 : f32
      %jit3A_238 = arith.constant 0.000000e+00 : f32
      %select_n3A_239 = arith.select %eq3A_236, %jit3A_237, %jit3A_238 : f32
      %get3A_240 = arith.constant 14 : i32
      %get3A_241 = arith.index_cast %get3A_240 : i32 to index
      %get3A_242 = arith.index_cast %mul3A_42 : i32 to index
      %get3A_243 = tpu.vector_load %arg4[%get3A_241, %get3A_242] {strides = array<i32>} : memref<16x1024xf32, #tpu.memory_space<vmem>>, vector<1x16xf32>,
      %get3A_244 = vector.shape_cast %get3A_243 : vector<1x16xf32> to vector<16xf32>
      %add3A_245 = vector.broadcast %select_n3A_239 : f32 to vector<16xf32>
      %add3A_246 = arith.addf %get3A_244, %add3A_245 : vector<16xf32>
      %eq3A_247 = arith.constant 15 : i32
      %eq3A_248 = arith.cmpi eq, %select_n3A_67, %eq3A_247 : i32
      %jit3A_249 = arith.constant -1.000000e+30 : f32
      %jit3A_250 = arith.constant 0.000000e+00 : f32
      %select_n3A_251 = arith.select %eq3A_248, %jit3A_249, %jit3A_250 : f32
      %get3A_252 = arith.constant 15 : i32
      %get3A_253 = arith.index_cast %get3A_252 : i32 to index
      %get3A_254 = arith.index_cast %mul3A_42 : i32 to index
      %get3A_255 = tpu.vector_load %arg4[%get3A_253, %get3A_254] {strides = array<i32>} : memref<16x1024xf32, #tpu.memory_space<vmem>>, vector<1x16xf32>,
      %get3A_256 = vector.shape_cast %get3A_255 : vector<1x16xf32> to vector<16xf32>
      %add3A_257 = vector.broadcast %select_n3A_251 : f32 to vector<16xf32>
      %add3A_258 = arith.addf %get3A_256, %add3A_257 : vector<16xf32>
      %max3A = arith.maximumf %add3A_78, %add3A_90 : vector<16xf32>
      %max3A_259 = arith.maximumf %max3A, %add3A_102 : vector<16xf32>
      %max3A_260 = arith.maximumf %max3A_259, %add3A_114 : vector<16xf32>
      %max3A_261 = arith.maximumf %max3A_260, %add3A_126 : vector<16xf32>
      %max3A_262 = arith.maximumf %max3A_261, %add3A_138 : vector<16xf32>
      %max3A_263 = arith.maximumf %max3A_262, %add3A_150 : vector<16xf32>
      %max3A_264 = arith.maximumf %max3A_263, %add3A_162 : vector<16xf32>
      %max3A_265 = arith.maximumf %max3A_264, %add3A_174 : vector<16xf32>
      %max3A_266 = arith.maximumf %max3A_265, %add3A_186 : vector<16xf32>
      %max3A_267 = arith.maximumf %max3A_266, %add3A_198 : vector<16xf32>
      %max3A_268 = arith.maximumf %max3A_267, %add3A_210 : vector<16xf32>
      %max3A_269 = arith.maximumf %max3A_268, %add3A_222 : vector<16xf32>
      %max3A_270 = arith.maximumf %max3A_269, %add3A_234 : vector<16xf32>
      %max3A_271 = arith.maximumf %max3A_270, %add3A_246 : vector<16xf32>
      %max3A_272 = arith.maximumf %max3A_271, %add3A_258 : vector<16xf32>
      %broadcast_in_dim3A = arith.constant 16 : i32
      %broadcast_in_dim3A_273 = vector.broadcast %broadcast_in_dim3A : i32 to vector<16xi32>
      %eq3A_274 = arith.cmpf oeq, %add3A_258, %max3A_272 : vector<16xf32>
      %jit3A_275 = arith.constant 15 : i32
      %broadcast_in_dim3A_276 = vector.broadcast %jit3A_275 : i32 to vector<16xi32>
      %select_n3A_277 = arith.select %eq3A_274, %broadcast_in_dim3A_276, %broadcast_in_dim3A_273 : vector<16xi1>, vector<16xi32>
      %eq3A_278 = arith.cmpf oeq, %add3A_246, %max3A_272 : vector<16xf32>
      %jit3A_279 = arith.constant 14 : i32
      %broadcast_in_dim3A_280 = vector.broadcast %jit3A_279 : i32 to vector<16xi32>
      %select_n3A_281 = arith.select %eq3A_278, %broadcast_in_dim3A_280, %select_n3A_277 : vector<16xi1>, vector<16xi32>
      %eq3A_282 = arith.cmpf oeq, %add3A_234, %max3A_272 : vector<16xf32>
      %jit3A_283 = arith.constant 13 : i32
      %broadcast_in_dim3A_284 = vector.broadcast %jit3A_283 : i32 to vector<16xi32>
      %select_n3A_285 = arith.select %eq3A_282, %broadcast_in_dim3A_284, %select_n3A_281 : vector<16xi1>, vector<16xi32>
      %eq3A_286 = arith.cmpf oeq, %add3A_222, %max3A_272 : vector<16xf32>
      %jit3A_287 = arith.constant 12 : i32
      %broadcast_in_dim3A_288 = vector.broadcast %jit3A_287 : i32 to vector<16xi32>
      %select_n3A_289 = arith.select %eq3A_286, %broadcast_in_dim3A_288, %select_n3A_285 : vector<16xi1>, vector<16xi32>
      %eq3A_290 = arith.cmpf oeq, %add3A_210, %max3A_272 : vector<16xf32>
      %jit3A_291 = arith.constant 11 : i32
      %broadcast_in_dim3A_292 = vector.broadcast %jit3A_291 : i32 to vector<16xi32>
      %select_n3A_293 = arith.select %eq3A_290, %broadcast_in_dim3A_292, %select_n3A_289 : vector<16xi1>, vector<16xi32>
      %eq3A_294 = arith.cmpf oeq, %add3A_198, %max3A_272 : vector<16xf32>
      %jit3A_295 = arith.constant 10 : i32
      %broadcast_in_dim3A_296 = vector.broadcast %jit3A_295 : i32 to vector<16xi32>
      %select_n3A_297 = arith.select %eq3A_294, %broadcast_in_dim3A_296, %select_n3A_293 : vector<16xi1>, vector<16xi32>
      %eq3A_298 = arith.cmpf oeq, %add3A_186, %max3A_272 : vector<16xf32>
      %jit3A_299 = arith.constant 9 : i32
      %broadcast_in_dim3A_300 = vector.broadcast %jit3A_299 : i32 to vector<16xi32>
      %select_n3A_301 = arith.select %eq3A_298, %broadcast_in_dim3A_300, %select_n3A_297 : vector<16xi1>, vector<16xi32>
      %eq3A_302 = arith.cmpf oeq, %add3A_174, %max3A_272 : vector<16xf32>
      %jit3A_303 = arith.constant 8 : i32
      %broadcast_in_dim3A_304 = vector.broadcast %jit3A_303 : i32 to vector<16xi32>
      %select_n3A_305 = arith.select %eq3A_302, %broadcast_in_dim3A_304, %select_n3A_301 : vector<16xi1>, vector<16xi32>
      %eq3A_306 = arith.cmpf oeq, %add3A_162, %max3A_272 : vector<16xf32>
      %jit3A_307 = arith.constant 7 : i32
      %broadcast_in_dim3A_308 = vector.broadcast %jit3A_307 : i32 to vector<16xi32>
      %select_n3A_309 = arith.select %eq3A_306, %broadcast_in_dim3A_308, %select_n3A_305 : vector<16xi1>, vector<16xi32>
      %eq3A_310 = arith.cmpf oeq, %add3A_150, %max3A_272 : vector<16xf32>
      %jit3A_311 = arith.constant 6 : i32
      %broadcast_in_dim3A_312 = vector.broadcast %jit3A_311 : i32 to vector<16xi32>
      %select_n3A_313 = arith.select %eq3A_310, %broadcast_in_dim3A_312, %select_n3A_309 : vector<16xi1>, vector<16xi32>
      %eq3A_314 = arith.cmpf oeq, %add3A_138, %max3A_272 : vector<16xf32>
      %jit3A_315 = arith.constant 5 : i32
      %broadcast_in_dim3A_316 = vector.broadcast %jit3A_315 : i32 to vector<16xi32>
      %select_n3A_317 = arith.select %eq3A_314, %broadcast_in_dim3A_316, %select_n3A_313 : vector<16xi1>, vector<16xi32>
      %eq3A_318 = arith.cmpf oeq, %add3A_126, %max3A_272 : vector<16xf32>
      %jit3A_319 = arith.constant 4 : i32
      %broadcast_in_dim3A_320 = vector.broadcast %jit3A_319 : i32 to vector<16xi32>
      %select_n3A_321 = arith.select %eq3A_318, %broadcast_in_dim3A_320, %select_n3A_317 : vector<16xi1>, vector<16xi32>
      %eq3A_322 = arith.cmpf oeq, %add3A_114, %max3A_272 : vector<16xf32>
      %jit3A_323 = arith.constant 3 : i32
      %broadcast_in_dim3A_324 = vector.broadcast %jit3A_323 : i32 to vector<16xi32>
      %select_n3A_325 = arith.select %eq3A_322, %broadcast_in_dim3A_324, %select_n3A_321 : vector<16xi1>, vector<16xi32>
      %eq3A_326 = arith.cmpf oeq, %add3A_102, %max3A_272 : vector<16xf32>
      %jit3A_327 = arith.constant 2 : i32
      %broadcast_in_dim3A_328 = vector.broadcast %jit3A_327 : i32 to vector<16xi32>
      %select_n3A_329 = arith.select %eq3A_326, %broadcast_in_dim3A_328, %select_n3A_325 : vector<16xi1>, vector<16xi32>
      %eq3A_330 = arith.cmpf oeq, %add3A_90, %max3A_272 : vector<16xf32>
      %jit3A_331 = arith.constant 1 : i32
      %broadcast_in_dim3A_332 = vector.broadcast %jit3A_331 : i32 to vector<16xi32>
      %select_n3A_333 = arith.select %eq3A_330, %broadcast_in_dim3A_332, %select_n3A_329 : vector<16xi1>, vector<16xi32>
      %eq3A_334 = arith.cmpf oeq, %add3A_78, %max3A_272 : vector<16xf32>
      %jit3A_335 = arith.constant 0 : i32
      %broadcast_in_dim3A_336 = vector.broadcast %jit3A_335 : i32 to vector<16xi32>
      %select_n3A_337 = arith.select %eq3A_334, %broadcast_in_dim3A_336, %select_n3A_333 : vector<16xi1>, vector<16xi32>
      %broadcast_in_dim3A_338 = arith.constant -1.000000e+30 : f32
      %broadcast_in_dim3A_339 = vector.broadcast %broadcast_in_dim3A_338 : f32 to vector<16xf32>
      %eq3A_340 = arith.constant 0 : i32
      %eq3A_341 = vector.broadcast %eq3A_340 : i32 to vector<16xi32>
      %eq3A_342 = arith.cmpi eq, %select_n3A_337, %eq3A_341 : vector<16xi32>
      %jit3A_343 = arith.constant -1.000000e+30 : f32
      %broadcast_in_dim3A_344 = vector.broadcast %jit3A_343 : f32 to vector<16xf32>
      %select_n3A_345 = arith.select %eq3A_342, %broadcast_in_dim3A_344, %add3A_78 : vector<16xi1>, vector<16xf32>
      %max3A_346 = arith.maximumf %broadcast_in_dim3A_339, %select_n3A_345 : vector<16xf32>
      %eq3A_347 = arith.constant 1 : i32
      %eq3A_348 = vector.broadcast %eq3A_347 : i32 to vector<16xi32>
      %eq3A_349 = arith.cmpi eq, %select_n3A_337, %eq3A_348 : vector<16xi32>
      %jit3A_350 = arith.constant -1.000000e+30 : f32
      %broadcast_in_dim3A_351 = vector.broadcast %jit3A_350 : f32 to vector<16xf32>
      %select_n3A_352 = arith.select %eq3A_349, %broadcast_in_dim3A_351, %add3A_90 : vector<16xi1>, vector<16xf32>
      %max3A_353 = arith.maximumf %max3A_346, %select_n3A_352 : vector<16xf32>
      %eq3A_354 = arith.constant 2 : i32
      %eq3A_355 = vector.broadcast %eq3A_354 : i32 to vector<16xi32>
      %eq3A_356 = arith.cmpi eq, %select_n3A_337, %eq3A_355 : vector<16xi32>
      %jit3A_357 = arith.constant -1.000000e+30 : f32
      %broadcast_in_dim3A_358 = vector.broadcast %jit3A_357 : f32 to vector<16xf32>
      %select_n3A_359 = arith.select %eq3A_356, %broadcast_in_dim3A_358, %add3A_102 : vector<16xi1>, vector<16xf32>
      %max3A_360 = arith.maximumf %max3A_353, %select_n3A_359 : vector<16xf32>
      %eq3A_361 = arith.constant 3 : i32
      %eq3A_362 = vector.broadcast %eq3A_361 : i32 to vector<16xi32>
      %eq3A_363 = arith.cmpi eq, %select_n3A_337, %eq3A_362 : vector<16xi32>
      %jit3A_364 = arith.constant -1.000000e+30 : f32
      %broadcast_in_dim3A_365 = vector.broadcast %jit3A_364 : f32 to vector<16xf32>
      %select_n3A_366 = arith.select %eq3A_363, %broadcast_in_dim3A_365, %add3A_114 : vector<16xi1>, vector<16xf32>
      %max3A_367 = arith.maximumf %max3A_360, %select_n3A_366 : vector<16xf32>
      %eq3A_368 = arith.constant 4 : i32
      %eq3A_369 = vector.broadcast %eq3A_368 : i32 to vector<16xi32>
      %eq3A_370 = arith.cmpi eq, %select_n3A_337, %eq3A_369 : vector<16xi32>
      %jit3A_371 = arith.constant -1.000000e+30 : f32
      %broadcast_in_dim3A_372 = vector.broadcast %jit3A_371 : f32 to vector<16xf32>
      %select_n3A_373 = arith.select %eq3A_370, %broadcast_in_dim3A_372, %add3A_126 : vector<16xi1>, vector<16xf32>
      %max3A_374 = arith.maximumf %max3A_367, %select_n3A_373 : vector<16xf32>
      %eq3A_375 = arith.constant 5 : i32
      %eq3A_376 = vector.broadcast %eq3A_375 : i32 to vector<16xi32>
      %eq3A_377 = arith.cmpi eq, %select_n3A_337, %eq3A_376 : vector<16xi32>
      %jit3A_378 = arith.constant -1.000000e+30 : f32
      %broadcast_in_dim3A_379 = vector.broadcast %jit3A_378 : f32 to vector<16xf32>
      %select_n3A_380 = arith.select %eq3A_377, %broadcast_in_dim3A_379, %add3A_138 : vector<16xi1>, vector<16xf32>
      %max3A_381 = arith.maximumf %max3A_374, %select_n3A_380 : vector<16xf32>
      %eq3A_382 = arith.constant 6 : i32
      %eq3A_383 = vector.broadcast %eq3A_382 : i32 to vector<16xi32>
      %eq3A_384 = arith.cmpi eq, %select_n3A_337, %eq3A_383 : vector<16xi32>
      %jit3A_385 = arith.constant -1.000000e+30 : f32
      %broadcast_in_dim3A_386 = vector.broadcast %jit3A_385 : f32 to vector<16xf32>
      %select_n3A_387 = arith.select %eq3A_384, %broadcast_in_dim3A_386, %add3A_150 : vector<16xi1>, vector<16xf32>
      %max3A_388 = arith.maximumf %max3A_381, %select_n3A_387 : vector<16xf32>
      %eq3A_389 = arith.constant 7 : i32
      %eq3A_390 = vector.broadcast %eq3A_389 : i32 to vector<16xi32>
      %eq3A_391 = arith.cmpi eq, %select_n3A_337, %eq3A_390 : vector<16xi32>
      %jit3A_392 = arith.constant -1.000000e+30 : f32
      %broadcast_in_dim3A_393 = vector.broadcast %jit3A_392 : f32 to vector<16xf32>
      %select_n3A_394 = arith.select %eq3A_391, %broadcast_in_dim3A_393, %add3A_162 : vector<16xi1>, vector<16xf32>
      %max3A_395 = arith.maximumf %max3A_388, %select_n3A_394 : vector<16xf32>
      %eq3A_396 = arith.constant 8 : i32
      %eq3A_397 = vector.broadcast %eq3A_396 : i32 to vector<16xi32>
      %eq3A_398 = arith.cmpi eq, %select_n3A_337, %eq3A_397 : vector<16xi32>
      %jit3A_399 = arith.constant -1.000000e+30 : f32
      %broadcast_in_dim3A_400 = vector.broadcast %jit3A_399 : f32 to vector<16xf32>
      %select_n3A_401 = arith.select %eq3A_398, %broadcast_in_dim3A_400, %add3A_174 : vector<16xi1>, vector<16xf32>
      %max3A_402 = arith.maximumf %max3A_395, %select_n3A_401 : vector<16xf32>
      %eq3A_403 = arith.constant 9 : i32
      %eq3A_404 = vector.broadcast %eq3A_403 : i32 to vector<16xi32>
      %eq3A_405 = arith.cmpi eq, %select_n3A_337, %eq3A_404 : vector<16xi32>
      %jit3A_406 = arith.constant -1.000000e+30 : f32
      %broadcast_in_dim3A_407 = vector.broadcast %jit3A_406 : f32 to vector<16xf32>
      %select_n3A_408 = arith.select %eq3A_405, %broadcast_in_dim3A_407, %add3A_186 : vector<16xi1>, vector<16xf32>
      %max3A_409 = arith.maximumf %max3A_402, %select_n3A_408 : vector<16xf32>
      %eq3A_410 = arith.constant 10 : i32
      %eq3A_411 = vector.broadcast %eq3A_410 : i32 to vector<16xi32>
      %eq3A_412 = arith.cmpi eq, %select_n3A_337, %eq3A_411 : vector<16xi32>
      %jit3A_413 = arith.constant -1.000000e+30 : f32
      %broadcast_in_dim3A_414 = vector.broadcast %jit3A_413 : f32 to vector<16xf32>
      %select_n3A_415 = arith.select %eq3A_412, %broadcast_in_dim3A_414, %add3A_198 : vector<16xi1>, vector<16xf32>
      %max3A_416 = arith.maximumf %max3A_409, %select_n3A_415 : vector<16xf32>
      %eq3A_417 = arith.constant 11 : i32
      %eq3A_418 = vector.broadcast %eq3A_417 : i32 to vector<16xi32>
      %eq3A_419 = arith.cmpi eq, %select_n3A_337, %eq3A_418 : vector<16xi32>
      %jit3A_420 = arith.constant -1.000000e+30 : f32
      %broadcast_in_dim3A_421 = vector.broadcast %jit3A_420 : f32 to vector<16xf32>
      %select_n3A_422 = arith.select %eq3A_419, %broadcast_in_dim3A_421, %add3A_210 : vector<16xi1>, vector<16xf32>
      %max3A_423 = arith.maximumf %max3A_416, %select_n3A_422 : vector<16xf32>
      %eq3A_424 = arith.constant 12 : i32
      %eq3A_425 = vector.broadcast %eq3A_424 : i32 to vector<16xi32>
      %eq3A_426 = arith.cmpi eq, %select_n3A_337, %eq3A_425 : vector<16xi32>
      %jit3A_427 = arith.constant -1.000000e+30 : f32
      %broadcast_in_dim3A_428 = vector.broadcast %jit3A_427 : f32 to vector<16xf32>
      %select_n3A_429 = arith.select %eq3A_426, %broadcast_in_dim3A_428, %add3A_222 : vector<16xi1>, vector<16xf32>
      %max3A_430 = arith.maximumf %max3A_423, %select_n3A_429 : vector<16xf32>
      %eq3A_431 = arith.constant 13 : i32
      %eq3A_432 = vector.broadcast %eq3A_431 : i32 to vector<16xi32>
      %eq3A_433 = arith.cmpi eq, %select_n3A_337, %eq3A_432 : vector<16xi32>
      %jit3A_434 = arith.constant -1.000000e+30 : f32
      %broadcast_in_dim3A_435 = vector.broadcast %jit3A_434 : f32 to vector<16xf32>
      %select_n3A_436 = arith.select %eq3A_433, %broadcast_in_dim3A_435, %add3A_234 : vector<16xi1>, vector<16xf32>
      %max3A_437 = arith.maximumf %max3A_430, %select_n3A_436 : vector<16xf32>
      %eq3A_438 = arith.constant 14 : i32
      %eq3A_439 = vector.broadcast %eq3A_438 : i32 to vector<16xi32>
      %eq3A_440 = arith.cmpi eq, %select_n3A_337, %eq3A_439 : vector<16xi32>
      %jit3A_441 = arith.constant -1.000000e+30 : f32
      %broadcast_in_dim3A_442 = vector.broadcast %jit3A_441 : f32 to vector<16xf32>
      %select_n3A_443 = arith.select %eq3A_440, %broadcast_in_dim3A_442, %add3A_246 : vector<16xi1>, vector<16xf32>
      %max3A_444 = arith.maximumf %max3A_437, %select_n3A_443 : vector<16xf32>
      %eq3A_445 = arith.constant 15 : i32
      %eq3A_446 = vector.broadcast %eq3A_445 : i32 to vector<16xi32>
      %eq3A_447 = arith.cmpi eq, %select_n3A_337, %eq3A_446 : vector<16xi32>
      %jit3A_448 = arith.constant -1.000000e+30 : f32
      %broadcast_in_dim3A_449 = vector.broadcast %jit3A_448 : f32 to vector<16xf32>
      %select_n3A_450 = arith.select %eq3A_447, %broadcast_in_dim3A_449, %add3A_258 : vector<16xi1>, vector<16xf32>
      %max3A_451 = arith.maximumf %max3A_444, %select_n3A_450 : vector<16xf32>
      %broadcast_in_dim3A_452 = arith.constant 16 : i32
      %broadcast_in_dim3A_453 = vector.broadcast %broadcast_in_dim3A_452 : i32 to vector<16xi32>
      %eq3A_454 = arith.cmpf oeq, %add3A_258, %max3A_451 : vector<16xf32>
      %ne3A_455 = arith.constant 15 : i32
      %ne3A_456 = vector.broadcast %ne3A_455 : i32 to vector<16xi32>
      %ne3A_457 = arith.cmpi ne, %select_n3A_337, %ne3A_456 : vector<16xi32>
      %and3A_458 = arith.andi %eq3A_454, %ne3A_457 : vector<16xi1>
      %jit3A_459 = arith.constant 15 : i32
      %broadcast_in_dim3A_460 = vector.broadcast %jit3A_459 : i32 to vector<16xi32>
      %select_n3A_461 = arith.select %and3A_458, %broadcast_in_dim3A_460, %broadcast_in_dim3A_453 : vector<16xi1>, vector<16xi32>
      %eq3A_462 = arith.cmpf oeq, %add3A_246, %max3A_451 : vector<16xf32>
      %ne3A_463 = arith.constant 14 : i32
      %ne3A_464 = vector.broadcast %ne3A_463 : i32 to vector<16xi32>
      %ne3A_465 = arith.cmpi ne, %select_n3A_337, %ne3A_464 : vector<16xi32>
      %and3A_466 = arith.andi %eq3A_462, %ne3A_465 : vector<16xi1>
      %jit3A_467 = arith.constant 14 : i32
      %broadcast_in_dim3A_468 = vector.broadcast %jit3A_467 : i32 to vector<16xi32>
      %select_n3A_469 = arith.select %and3A_466, %broadcast_in_dim3A_468, %select_n3A_461 : vector<16xi1>, vector<16xi32>
      %eq3A_470 = arith.cmpf oeq, %add3A_234, %max3A_451 : vector<16xf32>
      %ne3A_471 = arith.constant 13 : i32
      %ne3A_472 = vector.broadcast %ne3A_471 : i32 to vector<16xi32>
      %ne3A_473 = arith.cmpi ne, %select_n3A_337, %ne3A_472 : vector<16xi32>
      %and3A_474 = arith.andi %eq3A_470, %ne3A_473 : vector<16xi1>
      %jit3A_475 = arith.constant 13 : i32
      %broadcast_in_dim3A_476 = vector.broadcast %jit3A_475 : i32 to vector<16xi32>
      %select_n3A_477 = arith.select %and3A_474, %broadcast_in_dim3A_476, %select_n3A_469 : vector<16xi1>, vector<16xi32>
      %eq3A_478 = arith.cmpf oeq, %add3A_222, %max3A_451 : vector<16xf32>
      %ne3A_479 = arith.constant 12 : i32
      %ne3A_480 = vector.broadcast %ne3A_479 : i32 to vector<16xi32>
      %ne3A_481 = arith.cmpi ne, %select_n3A_337, %ne3A_480 : vector<16xi32>
      %and3A_482 = arith.andi %eq3A_478, %ne3A_481 : vector<16xi1>
      %jit3A_483 = arith.constant 12 : i32
      %broadcast_in_dim3A_484 = vector.broadcast %jit3A_483 : i32 to vector<16xi32>
      %select_n3A_485 = arith.select %and3A_482, %broadcast_in_dim3A_484, %select_n3A_477 : vector<16xi1>, vector<16xi32>
      %eq3A_486 = arith.cmpf oeq, %add3A_210, %max3A_451 : vector<16xf32>
      %ne3A_487 = arith.constant 11 : i32
      %ne3A_488 = vector.broadcast %ne3A_487 : i32 to vector<16xi32>
      %ne3A_489 = arith.cmpi ne, %select_n3A_337, %ne3A_488 : vector<16xi32>
      %and3A_490 = arith.andi %eq3A_486, %ne3A_489 : vector<16xi1>
      %jit3A_491 = arith.constant 11 : i32
      %broadcast_in_dim3A_492 = vector.broadcast %jit3A_491 : i32 to vector<16xi32>
      %select_n3A_493 = arith.select %and3A_490, %broadcast_in_dim3A_492, %select_n3A_485 : vector<16xi1>, vector<16xi32>
      %eq3A_494 = arith.cmpf oeq, %add3A_198, %max3A_451 : vector<16xf32>
      %ne3A_495 = arith.constant 10 : i32
      %ne3A_496 = vector.broadcast %ne3A_495 : i32 to vector<16xi32>
      %ne3A_497 = arith.cmpi ne, %select_n3A_337, %ne3A_496 : vector<16xi32>
      %and3A_498 = arith.andi %eq3A_494, %ne3A_497 : vector<16xi1>
      %jit3A_499 = arith.constant 10 : i32
      %broadcast_in_dim3A_500 = vector.broadcast %jit3A_499 : i32 to vector<16xi32>
      %select_n3A_501 = arith.select %and3A_498, %broadcast_in_dim3A_500, %select_n3A_493 : vector<16xi1>, vector<16xi32>
      %eq3A_502 = arith.cmpf oeq, %add3A_186, %max3A_451 : vector<16xf32>
      %ne3A_503 = arith.constant 9 : i32
      %ne3A_504 = vector.broadcast %ne3A_503 : i32 to vector<16xi32>
      %ne3A_505 = arith.cmpi ne, %select_n3A_337, %ne3A_504 : vector<16xi32>
      %and3A_506 = arith.andi %eq3A_502, %ne3A_505 : vector<16xi1>
      %jit3A_507 = arith.constant 9 : i32
      %broadcast_in_dim3A_508 = vector.broadcast %jit3A_507 : i32 to vector<16xi32>
      %select_n3A_509 = arith.select %and3A_506, %broadcast_in_dim3A_508, %select_n3A_501 : vector<16xi1>, vector<16xi32>
      %eq3A_510 = arith.cmpf oeq, %add3A_174, %max3A_451 : vector<16xf32>
      %ne3A_511 = arith.constant 8 : i32
      %ne3A_512 = vector.broadcast %ne3A_511 : i32 to vector<16xi32>
      %ne3A_513 = arith.cmpi ne, %select_n3A_337, %ne3A_512 : vector<16xi32>
      %and3A_514 = arith.andi %eq3A_510, %ne3A_513 : vector<16xi1>
      %jit3A_515 = arith.constant 8 : i32
      %broadcast_in_dim3A_516 = vector.broadcast %jit3A_515 : i32 to vector<16xi32>
      %select_n3A_517 = arith.select %and3A_514, %broadcast_in_dim3A_516, %select_n3A_509 : vector<16xi1>, vector<16xi32>
      %eq3A_518 = arith.cmpf oeq, %add3A_162, %max3A_451 : vector<16xf32>
      %ne3A_519 = arith.constant 7 : i32
      %ne3A_520 = vector.broadcast %ne3A_519 : i32 to vector<16xi32>
      %ne3A_521 = arith.cmpi ne, %select_n3A_337, %ne3A_520 : vector<16xi32>
      %and3A_522 = arith.andi %eq3A_518, %ne3A_521 : vector<16xi1>
      %jit3A_523 = arith.constant 7 : i32
      %broadcast_in_dim3A_524 = vector.broadcast %jit3A_523 : i32 to vector<16xi32>
      %select_n3A_525 = arith.select %and3A_522, %broadcast_in_dim3A_524, %select_n3A_517 : vector<16xi1>, vector<16xi32>
      %eq3A_526 = arith.cmpf oeq, %add3A_150, %max3A_451 : vector<16xf32>
      %ne3A_527 = arith.constant 6 : i32
      %ne3A_528 = vector.broadcast %ne3A_527 : i32 to vector<16xi32>
      %ne3A_529 = arith.cmpi ne, %select_n3A_337, %ne3A_528 : vector<16xi32>
      %and3A_530 = arith.andi %eq3A_526, %ne3A_529 : vector<16xi1>
      %jit3A_531 = arith.constant 6 : i32
      %broadcast_in_dim3A_532 = vector.broadcast %jit3A_531 : i32 to vector<16xi32>
      %select_n3A_533 = arith.select %and3A_530, %broadcast_in_dim3A_532, %select_n3A_525 : vector<16xi1>, vector<16xi32>
      %eq3A_534 = arith.cmpf oeq, %add3A_138, %max3A_451 : vector<16xf32>
      %ne3A_535 = arith.constant 5 : i32
      %ne3A_536 = vector.broadcast %ne3A_535 : i32 to vector<16xi32>
      %ne3A_537 = arith.cmpi ne, %select_n3A_337, %ne3A_536 : vector<16xi32>
      %and3A_538 = arith.andi %eq3A_534, %ne3A_537 : vector<16xi1>
      %jit3A_539 = arith.constant 5 : i32
      %broadcast_in_dim3A_540 = vector.broadcast %jit3A_539 : i32 to vector<16xi32>
      %select_n3A_541 = arith.select %and3A_538, %broadcast_in_dim3A_540, %select_n3A_533 : vector<16xi1>, vector<16xi32>
      %eq3A_542 = arith.cmpf oeq, %add3A_126, %max3A_451 : vector<16xf32>
      %ne3A_543 = arith.constant 4 : i32
      %ne3A_544 = vector.broadcast %ne3A_543 : i32 to vector<16xi32>
      %ne3A_545 = arith.cmpi ne, %select_n3A_337, %ne3A_544 : vector<16xi32>
      %and3A_546 = arith.andi %eq3A_542, %ne3A_545 : vector<16xi1>
      %jit3A_547 = arith.constant 4 : i32
      %broadcast_in_dim3A_548 = vector.broadcast %jit3A_547 : i32 to vector<16xi32>
      %select_n3A_549 = arith.select %and3A_546, %broadcast_in_dim3A_548, %select_n3A_541 : vector<16xi1>, vector<16xi32>
      %eq3A_550 = arith.cmpf oeq, %add3A_114, %max3A_451 : vector<16xf32>
      %ne3A_551 = arith.constant 3 : i32
      %ne3A_552 = vector.broadcast %ne3A_551 : i32 to vector<16xi32>
      %ne3A_553 = arith.cmpi ne, %select_n3A_337, %ne3A_552 : vector<16xi32>
      %and3A_554 = arith.andi %eq3A_550, %ne3A_553 : vector<16xi1>
      %jit3A_555 = arith.constant 3 : i32
      %broadcast_in_dim3A_556 = vector.broadcast %jit3A_555 : i32 to vector<16xi32>
      %select_n3A_557 = arith.select %and3A_554, %broadcast_in_dim3A_556, %select_n3A_549 : vector<16xi1>, vector<16xi32>
      %eq3A_558 = arith.cmpf oeq, %add3A_102, %max3A_451 : vector<16xf32>
      %ne3A_559 = arith.constant 2 : i32
      %ne3A_560 = vector.broadcast %ne3A_559 : i32 to vector<16xi32>
      %ne3A_561 = arith.cmpi ne, %select_n3A_337, %ne3A_560 : vector<16xi32>
      %and3A_562 = arith.andi %eq3A_558, %ne3A_561 : vector<16xi1>
      %jit3A_563 = arith.constant 2 : i32
      %broadcast_in_dim3A_564 = vector.broadcast %jit3A_563 : i32 to vector<16xi32>
      %select_n3A_565 = arith.select %and3A_562, %broadcast_in_dim3A_564, %select_n3A_557 : vector<16xi1>, vector<16xi32>
      %eq3A_566 = arith.cmpf oeq, %add3A_90, %max3A_451 : vector<16xf32>
      %ne3A_567 = arith.constant 1 : i32
      %ne3A_568 = vector.broadcast %ne3A_567 : i32 to vector<16xi32>
      %ne3A_569 = arith.cmpi ne, %select_n3A_337, %ne3A_568 : vector<16xi32>
      %and3A_570 = arith.andi %eq3A_566, %ne3A_569 : vector<16xi1>
      %jit3A_571 = arith.constant 1 : i32
      %broadcast_in_dim3A_572 = vector.broadcast %jit3A_571 : i32 to vector<16xi32>
      %select_n3A_573 = arith.select %and3A_570, %broadcast_in_dim3A_572, %select_n3A_565 : vector<16xi1>, vector<16xi32>
      %eq3A_574 = arith.cmpf oeq, %add3A_78, %max3A_451 : vector<16xf32>
      %ne3A_575 = arith.constant 0 : i32
      %ne3A_576 = vector.broadcast %ne3A_575 : i32 to vector<16xi32>
      %ne3A_577 = arith.cmpi ne, %select_n3A_337, %ne3A_576 : vector<16xi32>
      %and3A_578 = arith.andi %eq3A_574, %ne3A_577 : vector<16xi1>
      %jit3A_579 = arith.constant 0 : i32
      %broadcast_in_dim3A_580 = vector.broadcast %jit3A_579 : i32 to vector<16xi32>
      %select_n3A_581 = arith.select %and3A_578, %broadcast_in_dim3A_580, %select_n3A_573 : vector<16xi1>, vector<16xi32>
      %eq3A_582 = arith.constant 0 : i32
      %eq3A_583 = vector.broadcast %eq3A_582 : i32 to vector<16xi32>
      %eq3A_584 = arith.cmpi eq, %select_n3A_337, %eq3A_583 : vector<16xi32>
      %eq3A_585 = arith.constant 0 : i32
      %eq3A_586 = vector.broadcast %eq3A_585 : i32 to vector<16xi32>
      %eq3A_587 = arith.cmpi eq, %select_n3A_581, %eq3A_586 : vector<16xi32>
      %or3A = arith.ori %eq3A_584, %eq3A_587 : vector<16xi1>
      %jit3A_588 = arith.constant 0.000000e+00 : f32
      %jit3A_589 = arith.constant -1.000000e+30 : f32
      %broadcast_in_dim3A_590 = vector.broadcast %jit3A_588 : f32 to vector<16xf32>
      %broadcast_in_dim3A_591 = vector.broadcast %jit3A_589 : f32 to vector<16xf32>
      %select_n3A_592 = arith.select %or3A, %broadcast_in_dim3A_590, %broadcast_in_dim3A_591 : vector<16xi1>, vector<16xf32>
      %swap3A = arith.constant 0 : i32
      %swap3A_593 = arith.index_cast %swap3A : i32 to index
      %swap3A_594 = arith.index_cast %mul3A_42 : i32 to index
      %swap3A_595 = tpu.vector_load %arg5[%swap3A_593, %swap3A_594] {strides = array<i32>} : memref<16x1024xf32, #tpu.memory_space<vmem>>, vector<1x16xf32>,
      %swap3A_596 = vector.shape_cast %swap3A_595 : vector<1x16xf32> to vector<16xf32>
      %swap3A_597 = vector.shape_cast %select_n3A_592 : vector<16xf32> to vector<1x16xf32>
      tpu.vector_store %arg5[%swap3A_593, %swap3A_594], %swap3A_597 {strides = array<i32>} : memref<16x1024xf32, #tpu.memory_space<vmem>>, vector<1x16xf32>,
      %eq3A_598 = arith.constant 1 : i32
      %eq3A_599 = vector.broadcast %eq3A_598 : i32 to vector<16xi32>
      %eq3A_600 = arith.cmpi eq, %select_n3A_337, %eq3A_599 : vector<16xi32>
      %eq3A_601 = arith.constant 1 : i32
      %eq3A_602 = vector.broadcast %eq3A_601 : i32 to vector<16xi32>
      %eq3A_603 = arith.cmpi eq, %select_n3A_581, %eq3A_602 : vector<16xi32>
      %or3A_604 = arith.ori %eq3A_600, %eq3A_603 : vector<16xi1>
      %jit3A_605 = arith.constant 0.000000e+00 : f32
      %jit3A_606 = arith.constant -1.000000e+30 : f32
      %broadcast_in_dim3A_607 = vector.broadcast %jit3A_605 : f32 to vector<16xf32>
      %broadcast_in_dim3A_608 = vector.broadcast %jit3A_606 : f32 to vector<16xf32>
      %select_n3A_609 = arith.select %or3A_604, %broadcast_in_dim3A_607, %broadcast_in_dim3A_608 : vector<16xi1>, vector<16xf32>
      %swap3A_610 = arith.constant 1 : i32
      %swap3A_611 = arith.index_cast %swap3A_610 : i32 to index
      %swap3A_612 = arith.index_cast %mul3A_42 : i32 to index
      %swap3A_613 = tpu.vector_load %arg5[%swap3A_611, %swap3A_612] {strides = array<i32>} : memref<16x1024xf32, #tpu.memory_space<vmem>>, vector<1x16xf32>,
      %swap3A_614 = vector.shape_cast %swap3A_613 : vector<1x16xf32> to vector<16xf32>
      %swap3A_615 = vector.shape_cast %select_n3A_609 : vector<16xf32> to vector<1x16xf32>
      tpu.vector_store %arg5[%swap3A_611, %swap3A_612], %swap3A_615 {strides = array<i32>} : memref<16x1024xf32, #tpu.memory_space<vmem>>, vector<1x16xf32>,
      %eq3A_616 = arith.constant 2 : i32
      %eq3A_617 = vector.broadcast %eq3A_616 : i32 to vector<16xi32>
      %eq3A_618 = arith.cmpi eq, %select_n3A_337, %eq3A_617 : vector<16xi32>
      %eq3A_619 = arith.constant 2 : i32
      %eq3A_620 = vector.broadcast %eq3A_619 : i32 to vector<16xi32>
      %eq3A_621 = arith.cmpi eq, %select_n3A_581, %eq3A_620 : vector<16xi32>
      %or3A_622 = arith.ori %eq3A_618, %eq3A_621 : vector<16xi1>
      %jit3A_623 = arith.constant 0.000000e+00 : f32
      %jit3A_624 = arith.constant -1.000000e+30 : f32
      %broadcast_in_dim3A_625 = vector.broadcast %jit3A_623 : f32 to vector<16xf32>
      %broadcast_in_dim3A_626 = vector.broadcast %jit3A_624 : f32 to vector<16xf32>
      %select_n3A_627 = arith.select %or3A_622, %broadcast_in_dim3A_625, %broadcast_in_dim3A_626 : vector<16xi1>, vector<16xf32>
      %swap3A_628 = arith.constant 2 : i32
      %swap3A_629 = arith.index_cast %swap3A_628 : i32 to index
      %swap3A_630 = arith.index_cast %mul3A_42 : i32 to index
      %swap3A_631 = tpu.vector_load %arg5[%swap3A_629, %swap3A_630] {strides = array<i32>} : memref<16x1024xf32, #tpu.memory_space<vmem>>, vector<1x16xf32>,
      %swap3A_632 = vector.shape_cast %swap3A_631 : vector<1x16xf32> to vector<16xf32>
      %swap3A_633 = vector.shape_cast %select_n3A_627 : vector<16xf32> to vector<1x16xf32>
      tpu.vector_store %arg5[%swap3A_629, %swap3A_630], %swap3A_633 {strides = array<i32>} : memref<16x1024xf32, #tpu.memory_space<vmem>>, vector<1x16xf32>,
      %eq3A_634 = arith.constant 3 : i32
      %eq3A_635 = vector.broadcast %eq3A_634 : i32 to vector<16xi32>
      %eq3A_636 = arith.cmpi eq, %select_n3A_337, %eq3A_635 : vector<16xi32>
      %eq3A_637 = arith.constant 3 : i32
      %eq3A_638 = vector.broadcast %eq3A_637 : i32 to vector<16xi32>
      %eq3A_639 = arith.cmpi eq, %select_n3A_581, %eq3A_638 : vector<16xi32>
      %or3A_640 = arith.ori %eq3A_636, %eq3A_639 : vector<16xi1>
      %jit3A_641 = arith.constant 0.000000e+00 : f32
      %jit3A_642 = arith.constant -1.000000e+30 : f32
      %broadcast_in_dim3A_643 = vector.broadcast %jit3A_641 : f32 to vector<16xf32>
      %broadcast_in_dim3A_644 = vector.broadcast %jit3A_642 : f32 to vector<16xf32>
      %select_n3A_645 = arith.select %or3A_640, %broadcast_in_dim3A_643, %broadcast_in_dim3A_644 : vector<16xi1>, vector<16xf32>
      %swap3A_646 = arith.constant 3 : i32
      %swap3A_647 = arith.index_cast %swap3A_646 : i32 to index
      %swap3A_648 = arith.index_cast %mul3A_42 : i32 to index
      %swap3A_649 = tpu.vector_load %arg5[%swap3A_647, %swap3A_648] {strides = array<i32>} : memref<16x1024xf32, #tpu.memory_space<vmem>>, vector<1x16xf32>,
      %swap3A_650 = vector.shape_cast %swap3A_649 : vector<1x16xf32> to vector<16xf32>
      %swap3A_651 = vector.shape_cast %select_n3A_645 : vector<16xf32> to vector<1x16xf32>
      tpu.vector_store %arg5[%swap3A_647, %swap3A_648], %swap3A_651 {strides = array<i32>} : memref<16x1024xf32, #tpu.memory_space<vmem>>, vector<1x16xf32>,
      %eq3A_652 = arith.constant 4 : i32
      %eq3A_653 = vector.broadcast %eq3A_652 : i32 to vector<16xi32>
      %eq3A_654 = arith.cmpi eq, %select_n3A_337, %eq3A_653 : vector<16xi32>
      %eq3A_655 = arith.constant 4 : i32
      %eq3A_656 = vector.broadcast %eq3A_655 : i32 to vector<16xi32>
      %eq3A_657 = arith.cmpi eq, %select_n3A_581, %eq3A_656 : vector<16xi32>
      %or3A_658 = arith.ori %eq3A_654, %eq3A_657 : vector<16xi1>
      %jit3A_659 = arith.constant 0.000000e+00 : f32
      %jit3A_660 = arith.constant -1.000000e+30 : f32
      %broadcast_in_dim3A_661 = vector.broadcast %jit3A_659 : f32 to vector<16xf32>
      %broadcast_in_dim3A_662 = vector.broadcast %jit3A_660 : f32 to vector<16xf32>
      %select_n3A_663 = arith.select %or3A_658, %broadcast_in_dim3A_661, %broadcast_in_dim3A_662 : vector<16xi1>, vector<16xf32>
      %swap3A_664 = arith.constant 4 : i32
      %swap3A_665 = arith.index_cast %swap3A_664 : i32 to index
      %swap3A_666 = arith.index_cast %mul3A_42 : i32 to index
      %swap3A_667 = tpu.vector_load %arg5[%swap3A_665, %swap3A_666] {strides = array<i32>} : memref<16x1024xf32, #tpu.memory_space<vmem>>, vector<1x16xf32>,
      %swap3A_668 = vector.shape_cast %swap3A_667 : vector<1x16xf32> to vector<16xf32>
      %swap3A_669 = vector.shape_cast %select_n3A_663 : vector<16xf32> to vector<1x16xf32>
      tpu.vector_store %arg5[%swap3A_665, %swap3A_666], %swap3A_669 {strides = array<i32>} : memref<16x1024xf32, #tpu.memory_space<vmem>>, vector<1x16xf32>,
      %eq3A_670 = arith.constant 5 : i32
      %eq3A_671 = vector.broadcast %eq3A_670 : i32 to vector<16xi32>
      %eq3A_672 = arith.cmpi eq, %select_n3A_337, %eq3A_671 : vector<16xi32>
      %eq3A_673 = arith.constant 5 : i32
      %eq3A_674 = vector.broadcast %eq3A_673 : i32 to vector<16xi32>
      %eq3A_675 = arith.cmpi eq, %select_n3A_581, %eq3A_674 : vector<16xi32>
      %or3A_676 = arith.ori %eq3A_672, %eq3A_675 : vector<16xi1>
      %jit3A_677 = arith.constant 0.000000e+00 : f32
      %jit3A_678 = arith.constant -1.000000e+30 : f32
      %broadcast_in_dim3A_679 = vector.broadcast %jit3A_677 : f32 to vector<16xf32>
      %broadcast_in_dim3A_680 = vector.broadcast %jit3A_678 : f32 to vector<16xf32>
      %select_n3A_681 = arith.select %or3A_676, %broadcast_in_dim3A_679, %broadcast_in_dim3A_680 : vector<16xi1>, vector<16xf32>
      %swap3A_682 = arith.constant 5 : i32
      %swap3A_683 = arith.index_cast %swap3A_682 : i32 to index
      %swap3A_684 = arith.index_cast %mul3A_42 : i32 to index
      %swap3A_685 = tpu.vector_load %arg5[%swap3A_683, %swap3A_684] {strides = array<i32>} : memref<16x1024xf32, #tpu.memory_space<vmem>>, vector<1x16xf32>,
      %swap3A_686 = vector.shape_cast %swap3A_685 : vector<1x16xf32> to vector<16xf32>
      %swap3A_687 = vector.shape_cast %select_n3A_681 : vector<16xf32> to vector<1x16xf32>
      tpu.vector_store %arg5[%swap3A_683, %swap3A_684], %swap3A_687 {strides = array<i32>} : memref<16x1024xf32, #tpu.memory_space<vmem>>, vector<1x16xf32>,
      %eq3A_688 = arith.constant 6 : i32
      %eq3A_689 = vector.broadcast %eq3A_688 : i32 to vector<16xi32>
      %eq3A_690 = arith.cmpi eq, %select_n3A_337, %eq3A_689 : vector<16xi32>
      %eq3A_691 = arith.constant 6 : i32
      %eq3A_692 = vector.broadcast %eq3A_691 : i32 to vector<16xi32>
      %eq3A_693 = arith.cmpi eq, %select_n3A_581, %eq3A_692 : vector<16xi32>
      %or3A_694 = arith.ori %eq3A_690, %eq3A_693 : vector<16xi1>
      %jit3A_695 = arith.constant 0.000000e+00 : f32
      %jit3A_696 = arith.constant -1.000000e+30 : f32
      %broadcast_in_dim3A_697 = vector.broadcast %jit3A_695 : f32 to vector<16xf32>
      %broadcast_in_dim3A_698 = vector.broadcast %jit3A_696 : f32 to vector<16xf32>
      %select_n3A_699 = arith.select %or3A_694, %broadcast_in_dim3A_697, %broadcast_in_dim3A_698 : vector<16xi1>, vector<16xf32>
      %swap3A_700 = arith.constant 6 : i32
      %swap3A_701 = arith.index_cast %swap3A_700 : i32 to index
      %swap3A_702 = arith.index_cast %mul3A_42 : i32 to index
      %swap3A_703 = tpu.vector_load %arg5[%swap3A_701, %swap3A_702] {strides = array<i32>} : memref<16x1024xf32, #tpu.memory_space<vmem>>, vector<1x16xf32>,
      %swap3A_704 = vector.shape_cast %swap3A_703 : vector<1x16xf32> to vector<16xf32>
      %swap3A_705 = vector.shape_cast %select_n3A_699 : vector<16xf32> to vector<1x16xf32>
      tpu.vector_store %arg5[%swap3A_701, %swap3A_702], %swap3A_705 {strides = array<i32>} : memref<16x1024xf32, #tpu.memory_space<vmem>>, vector<1x16xf32>,
      %eq3A_706 = arith.constant 7 : i32
      %eq3A_707 = vector.broadcast %eq3A_706 : i32 to vector<16xi32>
      %eq3A_708 = arith.cmpi eq, %select_n3A_337, %eq3A_707 : vector<16xi32>
      %eq3A_709 = arith.constant 7 : i32
      %eq3A_710 = vector.broadcast %eq3A_709 : i32 to vector<16xi32>
      %eq3A_711 = arith.cmpi eq, %select_n3A_581, %eq3A_710 : vector<16xi32>
      %or3A_712 = arith.ori %eq3A_708, %eq3A_711 : vector<16xi1>
      %jit3A_713 = arith.constant 0.000000e+00 : f32
      %jit3A_714 = arith.constant -1.000000e+30 : f32
      %broadcast_in_dim3A_715 = vector.broadcast %jit3A_713 : f32 to vector<16xf32>
      %broadcast_in_dim3A_716 = vector.broadcast %jit3A_714 : f32 to vector<16xf32>
      %select_n3A_717 = arith.select %or3A_712, %broadcast_in_dim3A_715, %broadcast_in_dim3A_716 : vector<16xi1>, vector<16xf32>
      %swap3A_718 = arith.constant 7 : i32
      %swap3A_719 = arith.index_cast %swap3A_718 : i32 to index
      %swap3A_720 = arith.index_cast %mul3A_42 : i32 to index
      %swap3A_721 = tpu.vector_load %arg5[%swap3A_719, %swap3A_720] {strides = array<i32>} : memref<16x1024xf32, #tpu.memory_space<vmem>>, vector<1x16xf32>,
      %swap3A_722 = vector.shape_cast %swap3A_721 : vector<1x16xf32> to vector<16xf32>
      %swap3A_723 = vector.shape_cast %select_n3A_717 : vector<16xf32> to vector<1x16xf32>
      tpu.vector_store %arg5[%swap3A_719, %swap3A_720], %swap3A_723 {strides = array<i32>} : memref<16x1024xf32, #tpu.memory_space<vmem>>, vector<1x16xf32>,
      %eq3A_724 = arith.constant 8 : i32
      %eq3A_725 = vector.broadcast %eq3A_724 : i32 to vector<16xi32>
      %eq3A_726 = arith.cmpi eq, %select_n3A_337, %eq3A_725 : vector<16xi32>
      %eq3A_727 = arith.constant 8 : i32
      %eq3A_728 = vector.broadcast %eq3A_727 : i32 to vector<16xi32>
      %eq3A_729 = arith.cmpi eq, %select_n3A_581, %eq3A_728 : vector<16xi32>
      %or3A_730 = arith.ori %eq3A_726, %eq3A_729 : vector<16xi1>
      %jit3A_731 = arith.constant 0.000000e+00 : f32
      %jit3A_732 = arith.constant -1.000000e+30 : f32
      %broadcast_in_dim3A_733 = vector.broadcast %jit3A_731 : f32 to vector<16xf32>
      %broadcast_in_dim3A_734 = vector.broadcast %jit3A_732 : f32 to vector<16xf32>
      %select_n3A_735 = arith.select %or3A_730, %broadcast_in_dim3A_733, %broadcast_in_dim3A_734 : vector<16xi1>, vector<16xf32>
      %swap3A_736 = arith.constant 8 : i32
      %swap3A_737 = arith.index_cast %swap3A_736 : i32 to index
      %swap3A_738 = arith.index_cast %mul3A_42 : i32 to index
      %swap3A_739 = tpu.vector_load %arg5[%swap3A_737, %swap3A_738] {strides = array<i32>} : memref<16x1024xf32, #tpu.memory_space<vmem>>, vector<1x16xf32>,
      %swap3A_740 = vector.shape_cast %swap3A_739 : vector<1x16xf32> to vector<16xf32>
      %swap3A_741 = vector.shape_cast %select_n3A_735 : vector<16xf32> to vector<1x16xf32>
      tpu.vector_store %arg5[%swap3A_737, %swap3A_738], %swap3A_741 {strides = array<i32>} : memref<16x1024xf32, #tpu.memory_space<vmem>>, vector<1x16xf32>,
      %eq3A_742 = arith.constant 9 : i32
      %eq3A_743 = vector.broadcast %eq3A_742 : i32 to vector<16xi32>
      %eq3A_744 = arith.cmpi eq, %select_n3A_337, %eq3A_743 : vector<16xi32>
      %eq3A_745 = arith.constant 9 : i32
      %eq3A_746 = vector.broadcast %eq3A_745 : i32 to vector<16xi32>
      %eq3A_747 = arith.cmpi eq, %select_n3A_581, %eq3A_746 : vector<16xi32>
      %or3A_748 = arith.ori %eq3A_744, %eq3A_747 : vector<16xi1>
      %jit3A_749 = arith.constant 0.000000e+00 : f32
      %jit3A_750 = arith.constant -1.000000e+30 : f32
      %broadcast_in_dim3A_751 = vector.broadcast %jit3A_749 : f32 to vector<16xf32>
      %broadcast_in_dim3A_752 = vector.broadcast %jit3A_750 : f32 to vector<16xf32>
      %select_n3A_753 = arith.select %or3A_748, %broadcast_in_dim3A_751, %broadcast_in_dim3A_752 : vector<16xi1>, vector<16xf32>
      %swap3A_754 = arith.constant 9 : i32
      %swap3A_755 = arith.index_cast %swap3A_754 : i32 to index
      %swap3A_756 = arith.index_cast %mul3A_42 : i32 to index
      %swap3A_757 = tpu.vector_load %arg5[%swap3A_755, %swap3A_756] {strides = array<i32>} : memref<16x1024xf32, #tpu.memory_space<vmem>>, vector<1x16xf32>,
      %swap3A_758 = vector.shape_cast %swap3A_757 : vector<1x16xf32> to vector<16xf32>
      %swap3A_759 = vector.shape_cast %select_n3A_753 : vector<16xf32> to vector<1x16xf32>
      tpu.vector_store %arg5[%swap3A_755, %swap3A_756], %swap3A_759 {strides = array<i32>} : memref<16x1024xf32, #tpu.memory_space<vmem>>, vector<1x16xf32>,
      %eq3A_760 = arith.constant 10 : i32
      %eq3A_761 = vector.broadcast %eq3A_760 : i32 to vector<16xi32>
      %eq3A_762 = arith.cmpi eq, %select_n3A_337, %eq3A_761 : vector<16xi32>
      %eq3A_763 = arith.constant 10 : i32
      %eq3A_764 = vector.broadcast %eq3A_763 : i32 to vector<16xi32>
      %eq3A_765 = arith.cmpi eq, %select_n3A_581, %eq3A_764 : vector<16xi32>
      %or3A_766 = arith.ori %eq3A_762, %eq3A_765 : vector<16xi1>
      %jit3A_767 = arith.constant 0.000000e+00 : f32
      %jit3A_768 = arith.constant -1.000000e+30 : f32
      %broadcast_in_dim3A_769 = vector.broadcast %jit3A_767 : f32 to vector<16xf32>
      %broadcast_in_dim3A_770 = vector.broadcast %jit3A_768 : f32 to vector<16xf32>
      %select_n3A_771 = arith.select %or3A_766, %broadcast_in_dim3A_769, %broadcast_in_dim3A_770 : vector<16xi1>, vector<16xf32>
      %swap3A_772 = arith.constant 10 : i32
      %swap3A_773 = arith.index_cast %swap3A_772 : i32 to index
      %swap3A_774 = arith.index_cast %mul3A_42 : i32 to index
      %swap3A_775 = tpu.vector_load %arg5[%swap3A_773, %swap3A_774] {strides = array<i32>} : memref<16x1024xf32, #tpu.memory_space<vmem>>, vector<1x16xf32>,
      %swap3A_776 = vector.shape_cast %swap3A_775 : vector<1x16xf32> to vector<16xf32>
      %swap3A_777 = vector.shape_cast %select_n3A_771 : vector<16xf32> to vector<1x16xf32>
      tpu.vector_store %arg5[%swap3A_773, %swap3A_774], %swap3A_777 {strides = array<i32>} : memref<16x1024xf32, #tpu.memory_space<vmem>>, vector<1x16xf32>,
      %eq3A_778 = arith.constant 11 : i32
      %eq3A_779 = vector.broadcast %eq3A_778 : i32 to vector<16xi32>
      %eq3A_780 = arith.cmpi eq, %select_n3A_337, %eq3A_779 : vector<16xi32>
      %eq3A_781 = arith.constant 11 : i32
      %eq3A_782 = vector.broadcast %eq3A_781 : i32 to vector<16xi32>
      %eq3A_783 = arith.cmpi eq, %select_n3A_581, %eq3A_782 : vector<16xi32>
      %or3A_784 = arith.ori %eq3A_780, %eq3A_783 : vector<16xi1>
      %jit3A_785 = arith.constant 0.000000e+00 : f32
      %jit3A_786 = arith.constant -1.000000e+30 : f32
      %broadcast_in_dim3A_787 = vector.broadcast %jit3A_785 : f32 to vector<16xf32>
      %broadcast_in_dim3A_788 = vector.broadcast %jit3A_786 : f32 to vector<16xf32>
      %select_n3A_789 = arith.select %or3A_784, %broadcast_in_dim3A_787, %broadcast_in_dim3A_788 : vector<16xi1>, vector<16xf32>
      %swap3A_790 = arith.constant 11 : i32
      %swap3A_791 = arith.index_cast %swap3A_790 : i32 to index
      %swap3A_792 = arith.index_cast %mul3A_42 : i32 to index
      %swap3A_793 = tpu.vector_load %arg5[%swap3A_791, %swap3A_792] {strides = array<i32>} : memref<16x1024xf32, #tpu.memory_space<vmem>>, vector<1x16xf32>,
      %swap3A_794 = vector.shape_cast %swap3A_793 : vector<1x16xf32> to vector<16xf32>
      %swap3A_795 = vector.shape_cast %select_n3A_789 : vector<16xf32> to vector<1x16xf32>
      tpu.vector_store %arg5[%swap3A_791, %swap3A_792], %swap3A_795 {strides = array<i32>} : memref<16x1024xf32, #tpu.memory_space<vmem>>, vector<1x16xf32>,
      %eq3A_796 = arith.constant 12 : i32
      %eq3A_797 = vector.broadcast %eq3A_796 : i32 to vector<16xi32>
      %eq3A_798 = arith.cmpi eq, %select_n3A_337, %eq3A_797 : vector<16xi32>
      %eq3A_799 = arith.constant 12 : i32
      %eq3A_800 = vector.broadcast %eq3A_799 : i32 to vector<16xi32>
      %eq3A_801 = arith.cmpi eq, %select_n3A_581, %eq3A_800 : vector<16xi32>
      %or3A_802 = arith.ori %eq3A_798, %eq3A_801 : vector<16xi1>
      %jit3A_803 = arith.constant 0.000000e+00 : f32
      %jit3A_804 = arith.constant -1.000000e+30 : f32
      %broadcast_in_dim3A_805 = vector.broadcast %jit3A_803 : f32 to vector<16xf32>
      %broadcast_in_dim3A_806 = vector.broadcast %jit3A_804 : f32 to vector<16xf32>
      %select_n3A_807 = arith.select %or3A_802, %broadcast_in_dim3A_805, %broadcast_in_dim3A_806 : vector<16xi1>, vector<16xf32>
      %swap3A_808 = arith.constant 12 : i32
      %swap3A_809 = arith.index_cast %swap3A_808 : i32 to index
      %swap3A_810 = arith.index_cast %mul3A_42 : i32 to index
      %swap3A_811 = tpu.vector_load %arg5[%swap3A_809, %swap3A_810] {strides = array<i32>} : memref<16x1024xf32, #tpu.memory_space<vmem>>, vector<1x16xf32>,
      %swap3A_812 = vector.shape_cast %swap3A_811 : vector<1x16xf32> to vector<16xf32>
      %swap3A_813 = vector.shape_cast %select_n3A_807 : vector<16xf32> to vector<1x16xf32>
      tpu.vector_store %arg5[%swap3A_809, %swap3A_810], %swap3A_813 {strides = array<i32>} : memref<16x1024xf32, #tpu.memory_space<vmem>>, vector<1x16xf32>,
      %eq3A_814 = arith.constant 13 : i32
      %eq3A_815 = vector.broadcast %eq3A_814 : i32 to vector<16xi32>
      %eq3A_816 = arith.cmpi eq, %select_n3A_337, %eq3A_815 : vector<16xi32>
      %eq3A_817 = arith.constant 13 : i32
      %eq3A_818 = vector.broadcast %eq3A_817 : i32 to vector<16xi32>
      %eq3A_819 = arith.cmpi eq, %select_n3A_581, %eq3A_818 : vector<16xi32>
      %or3A_820 = arith.ori %eq3A_816, %eq3A_819 : vector<16xi1>
      %jit3A_821 = arith.constant 0.000000e+00 : f32
      %jit3A_822 = arith.constant -1.000000e+30 : f32
      %broadcast_in_dim3A_823 = vector.broadcast %jit3A_821 : f32 to vector<16xf32>
      %broadcast_in_dim3A_824 = vector.broadcast %jit3A_822 : f32 to vector<16xf32>
      %select_n3A_825 = arith.select %or3A_820, %broadcast_in_dim3A_823, %broadcast_in_dim3A_824 : vector<16xi1>, vector<16xf32>
      %swap3A_826 = arith.constant 13 : i32
      %swap3A_827 = arith.index_cast %swap3A_826 : i32 to index
      %swap3A_828 = arith.index_cast %mul3A_42 : i32 to index
      %swap3A_829 = tpu.vector_load %arg5[%swap3A_827, %swap3A_828] {strides = array<i32>} : memref<16x1024xf32, #tpu.memory_space<vmem>>, vector<1x16xf32>,
      %swap3A_830 = vector.shape_cast %swap3A_829 : vector<1x16xf32> to vector<16xf32>
      %swap3A_831 = vector.shape_cast %select_n3A_825 : vector<16xf32> to vector<1x16xf32>
      tpu.vector_store %arg5[%swap3A_827, %swap3A_828], %swap3A_831 {strides = array<i32>} : memref<16x1024xf32, #tpu.memory_space<vmem>>, vector<1x16xf32>,
      %eq3A_832 = arith.constant 14 : i32
      %eq3A_833 = vector.broadcast %eq3A_832 : i32 to vector<16xi32>
      %eq3A_834 = arith.cmpi eq, %select_n3A_337, %eq3A_833 : vector<16xi32>
      %eq3A_835 = arith.constant 14 : i32
      %eq3A_836 = vector.broadcast %eq3A_835 : i32 to vector<16xi32>
      %eq3A_837 = arith.cmpi eq, %select_n3A_581, %eq3A_836 : vector<16xi32>
      %or3A_838 = arith.ori %eq3A_834, %eq3A_837 : vector<16xi1>
      %jit3A_839 = arith.constant 0.000000e+00 : f32
      %jit3A_840 = arith.constant -1.000000e+30 : f32
      %broadcast_in_dim3A_841 = vector.broadcast %jit3A_839 : f32 to vector<16xf32>
      %broadcast_in_dim3A_842 = vector.broadcast %jit3A_840 : f32 to vector<16xf32>
      %select_n3A_843 = arith.select %or3A_838, %broadcast_in_dim3A_841, %broadcast_in_dim3A_842 : vector<16xi1>, vector<16xf32>
      %swap3A_844 = arith.constant 14 : i32
      %swap3A_845 = arith.index_cast %swap3A_844 : i32 to index
      %swap3A_846 = arith.index_cast %mul3A_42 : i32 to index
      %swap3A_847 = tpu.vector_load %arg5[%swap3A_845, %swap3A_846] {strides = array<i32>} : memref<16x1024xf32, #tpu.memory_space<vmem>>, vector<1x16xf32>,
      %swap3A_848 = vector.shape_cast %swap3A_847 : vector<1x16xf32> to vector<16xf32>
      %swap3A_849 = vector.shape_cast %select_n3A_843 : vector<16xf32> to vector<1x16xf32>
      tpu.vector_store %arg5[%swap3A_845, %swap3A_846], %swap3A_849 {strides = array<i32>} : memref<16x1024xf32, #tpu.memory_space<vmem>>, vector<1x16xf32>,
      %eq3A_850 = arith.constant 15 : i32
      %eq3A_851 = vector.broadcast %eq3A_850 : i32 to vector<16xi32>
      %eq3A_852 = arith.cmpi eq, %select_n3A_337, %eq3A_851 : vector<16xi32>
      %eq3A_853 = arith.constant 15 : i32
      %eq3A_854 = vector.broadcast %eq3A_853 : i32 to vector<16xi32>
      %eq3A_855 = arith.cmpi eq, %select_n3A_581, %eq3A_854 : vector<16xi32>
      %or3A_856 = arith.ori %eq3A_852, %eq3A_855 : vector<16xi1>
      %jit3A_857 = arith.constant 0.000000e+00 : f32
      %jit3A_858 = arith.constant -1.000000e+30 : f32
      %broadcast_in_dim3A_859 = vector.broadcast %jit3A_857 : f32 to vector<16xf32>
      %broadcast_in_dim3A_860 = vector.broadcast %jit3A_858 : f32 to vector<16xf32>
      %select_n3A_861 = arith.select %or3A_856, %broadcast_in_dim3A_859, %broadcast_in_dim3A_860 : vector<16xi1>, vector<16xf32>
      %swap3A_862 = arith.constant 15 : i32
      %swap3A_863 = arith.index_cast %swap3A_862 : i32 to index
      %swap3A_864 = arith.index_cast %mul3A_42 : i32 to index
      %swap3A_865 = tpu.vector_load %arg5[%swap3A_863, %swap3A_864] {strides = array<i32>} : memref<16x1024xf32, #tpu.memory_space<vmem>>, vector<1x16xf32>,
      %swap3A_866 = vector.shape_cast %swap3A_865 : vector<1x16xf32> to vector<16xf32>
      %swap3A_867 = vector.shape_cast %select_n3A_861 : vector<16xf32> to vector<1x16xf32>
      tpu.vector_store %arg5[%swap3A_863, %swap3A_864], %swap3A_867 {strides = array<i32>} : memref<16x1024xf32, #tpu.memory_space<vmem>>, vector<1x16xf32>,
      %scan3A_868 = arith.constant 0 : i32
      scf.yield %scan3A_868 : i32
    }
    %scan3A_38 = arith.constant 64 : i32
    "tpu.region"() ({
      %run_scoped3A = tpu.sem_alloc : memref<!tpu.dma_semaphore, #tpu.memory_space<semaphore_mem>>
      %dma_start3A = arith.constant 0 : i32
      %dma_start3A_39 = tpu.memref_slice %arg3[%select_n3A_9, %dma_start3A, %mul3A_32] : memref<16x16x2048xf32, #tpu.memory_space<hbm>> -> memref<1x16x1024xf32, #tpu.memory_space<hbm>>
      %dma_start3A_40 = tpu.memref_squeeze %dma_start3A_39 : memref<1x16x1024xf32, #tpu.memory_space<hbm>> -> memref<16x1024xf32, #tpu.memory_space<hbm>>
      %dma_start3A_41 = arith.constant 0 : i32
      %dma_start3A_42 = tpu.memref_slice %arg3[%select_n3A_9, %dma_start3A_41, %mul3A_32] : memref<16x16x2048xf32, #tpu.memory_space<hbm>> -> memref<1x16x1024xf32, #tpu.memory_space<hbm>>
      %dma_start3A_43 = tpu.memref_squeeze %dma_start3A_42 : memref<1x16x1024xf32, #tpu.memory_space<hbm>> -> memref<16x1024xf32, #tpu.memory_space<hbm>>
      tpu.enqueue_dma source(%arg5 : memref<16x1024xf32, #tpu.memory_space<vmem>>) target(%dma_start3A_43 : memref<16x1024xf32, #tpu.memory_space<hbm>>) target_semaphore(%run_scoped3A : memref<!tpu.dma_semaphore, #tpu.memory_space<semaphore_mem>>)
      %dma_wait3A = arith.constant 0 : i32
      %dma_wait3A_44 = tpu.memref_slice %arg3[%select_n3A_9, %dma_wait3A, %mul3A_32] : memref<16x16x2048xf32, #tpu.memory_space<hbm>> -> memref<1x16x1024xf32, #tpu.memory_space<hbm>>
      %dma_wait3A_45 = tpu.memref_squeeze %dma_wait3A_44 : memref<1x16x1024xf32, #tpu.memory_space<hbm>> -> memref<16x1024xf32, #tpu.memory_space<hbm>>
      %dma_wait3A_46 = arith.constant 0 : i32
      %dma_wait3A_47 = tpu.memref_slice %arg3[%select_n3A_9, %dma_wait3A_46, %mul3A_32] : memref<16x16x2048xf32, #tpu.memory_space<hbm>> -> memref<1x16x1024xf32, #tpu.memory_space<hbm>>
      %dma_wait3A_48 = tpu.memref_squeeze %dma_wait3A_47 : memref<1x16x1024xf32, #tpu.memory_space<hbm>> -> memref<16x1024xf32, #tpu.memory_space<hbm>>
      tpu.wait_dma2 semaphore(%run_scoped3A : memref<!tpu.dma_semaphore, #tpu.memory_space<semaphore_mem>>) src(%arg5 : memref<16x1024xf32, #tpu.memory_space<vmem>>) dst(%dma_wait3A_48 : memref<16x1024xf32, #tpu.memory_space<hbm>>)
      tpu.yield
    }) : () -> ()
    return
  }
}

module attributes {stable_mosaic.version = 14 : i64} {
  func.func @_score_kernel(%arg0: i32, %arg1: memref<1x2048x64xf32, #tpu.memory_space<vmem>>, %arg2: memref<1x16x1x64xf32, #tpu.memory_space<vmem>>, %arg3: memref<1x16x2048xf32, #tpu.memory_space<vmem>>) attributes {dimension_semantics = [#tpu.dimension_semantics<arbitrary>], iteration_bounds = array<i64: 16>, scalar_prefetch = 0 : i64, scratch_operands = 0 : i64, tpu.core_type = #tpu.core_type<tc>, window_params = [{transform_indices = @transform_0, window_bounds = array<i64: 1, 2048, 64>}, {transform_indices = @transform_1, window_bounds = array<i64: 1, 16, 1, 64>}, {transform_indices = @transform_2, window_bounds = array<i64: 1, 16, 2048>}]} {
    %get3A = arith.constant 0 : index
    %get3A_0 = arith.constant 0 : index
    %get3A_1 = arith.constant 0 : index
    %get3A_2 = arith.constant 0 : index
    %get3A_3 = vector.load %arg2[%get3A, %get3A_0, %get3A_1, %get3A_2] : memref<1x16x1x64xf32, #tpu.memory_space<vmem>>, vector<1x16x1x64xf32>
    %get3A_4 = vector.shape_cast %get3A_3 : vector<1x16x1x64xf32> to vector<16x1x64xf32>
    %reshape3A = vector.shape_cast %get3A_4 : vector<16x1x64xf32> to vector<16x64xf32>
    %get3A_5 = arith.constant 0 : index
    %get3A_6 = arith.constant 0 : index
    %get3A_7 = arith.constant 0 : index
    %get3A_8 = vector.load %arg1[%get3A_5, %get3A_6, %get3A_7] : memref<1x2048x64xf32, #tpu.memory_space<vmem>>, vector<1x2048x64xf32>
    %get3A_9 = vector.shape_cast %get3A_8 : vector<1x2048x64xf32> to vector<2048x64xf32>
    %dot_general3A = arith.constant dense<0.000000e+00> : vector<16x2048xf32>
    %dot_general3A_10 = tpu.matmul %reshape3A, %get3A_9, %dot_general3A {dimension_numbers = #tpu.dot_dimension_numbers<[1], [1], [0], [0], [0, 0, 1, 0], [], []>, transpose_lhs_hint = false} : vector<16x64xf32>, vector<2048x64xf32>, vector<16x2048xf32> -> vector<16x2048xf32>
    %swap3A = arith.constant 0 : index
    %swap3A_11 = arith.constant 0 : index
    %swap3A_12 = arith.constant 0 : index
    %swap3A_13 = vector.load %arg3[%swap3A, %swap3A_11, %swap3A_12] : memref<1x16x2048xf32, #tpu.memory_space<vmem>>, vector<1x16x2048xf32>
    %swap3A_14 = vector.shape_cast %swap3A_13 : vector<1x16x2048xf32> to vector<16x2048xf32>
    %swap3A_15 = vector.shape_cast %dot_general3A_10 : vector<16x2048xf32> to vector<1x16x2048xf32>
    tpu.vector_store %arg3[%swap3A, %swap3A_11, %swap3A_12], %swap3A_15 {strides = array<i32>} : memref<1x16x2048xf32, #tpu.memory_space<vmem>>, vector<1x16x2048xf32>,
    return
  }
  func.func @transform_0(%arg0: i32) -> (i32, i32, i32) {
    %c0_i32 = arith.constant 0 : i32
    %c0_i32_0 = arith.constant 0 : i32
    %c0_i32_1 = arith.constant 0 : i32
    return %arg0, %c0_i32, %c0_i32_0 : i32, i32, i32
  }
  func.func @transform_1(%arg0: i32) -> (i32, i32, i32, i32) {
    %c0_i32 = arith.constant 0 : i32
    %c0_i32_0 = arith.constant 0 : i32
    %c0_i32_1 = arith.constant 0 : i32
    %c0_i32_2 = arith.constant 0 : i32
    return %arg0, %c0_i32, %c0_i32_0, %c0_i32_1 : i32, i32, i32, i32
  }
  func.func @transform_2(%arg0: i32) -> (i32, i32, i32) {
    %c0_i32 = arith.constant 0 : i32
    %c0_i32_0 = arith.constant 0 : i32
    %c0_i32_1 = arith.constant 0 : i32
    return %arg0, %c0_i32, %c0_i32_0 : i32, i32, i32
  }
}

module attributes {stable_mosaic.version = 14 : i64} {
  func.func @_proj_qk_kernel(%arg0: i32, %arg1: memref<128x1024xf32, #tpu.memory_space<vmem>>, %arg2: memref<1024x1024xf32, #tpu.memory_space<vmem>>, %arg3: memref<1024x1024xf32, #tpu.memory_space<vmem>>, %arg4: memref<128x32xf32, #tpu.memory_space<vmem>>, %arg5: memref<128x32xf32, #tpu.memory_space<vmem>>, %arg6: memref<16x128x64xf32, #tpu.memory_space<vmem>>, %arg7: memref<16x128x64xf32, #tpu.memory_space<vmem>>, %arg8: memref<16x1x1x64xf32, #tpu.memory_space<vmem>>) attributes {dimension_semantics = [#tpu.dimension_semantics<arbitrary>], iteration_bounds = array<i64: 16>, scalar_prefetch = 0 : i64, scratch_operands = 0 : i64, tpu.core_type = #tpu.core_type<tc>, window_params = [{transform_indices = @transform_0, window_bounds = array<i64: 128, 1024>}, {pipeline_mode = #tpu.pipeline_mode<synchronous>, transform_indices = @transform_1, window_bounds = array<i64: 1024, 1024>}, {pipeline_mode = #tpu.pipeline_mode<synchronous>, transform_indices = @transform_2, window_bounds = array<i64: 1024, 1024>}, {transform_indices = @transform_3, window_bounds = array<i64: 128, 32>}, {transform_indices = @transform_4, window_bounds = array<i64: 128, 32>}, {transform_indices = @transform_5, window_bounds = array<i64: 16, 128, 64>}, {transform_indices = @transform_6, window_bounds = array<i64: 16, 128, 64>}, {transform_indices = @transform_7, window_bounds = array<i64: 16, 1, 1, 64>}]} {
    %get3A = arith.constant 0 : index
    %get3A_0 = arith.constant 0 : index
    %get3A_1 = vector.load %arg1[%get3A, %get3A_0] : memref<128x1024xf32, #tpu.memory_space<vmem>>, vector<128x1024xf32>
    %get3A_2 = arith.constant 0 : index
    %get3A_3 = arith.constant 0 : index
    %get3A_4 = vector.load %arg2[%get3A_2, %get3A_3] : memref<1024x1024xf32, #tpu.memory_space<vmem>>, vector<1024x1024xf32>
    %dot_general3A = arith.constant dense<0.000000e+00> : vector<128x1024xf32>
    %dot_general3A_5 = tpu.matmul %get3A_1, %get3A_4, %dot_general3A {dimension_numbers = #tpu.dot_dimension_numbers<[1], [0], [0], [1], [0, 0, 1, 1], [], []>, transpose_lhs_hint = false} : vector<128x1024xf32>, vector<1024x1024xf32>, vector<128x1024xf32> -> vector<128x1024xf32>
    %get3A_6 = arith.constant 0 : index
    %get3A_7 = arith.constant 0 : index
    %get3A_8 = vector.load %arg3[%get3A_6, %get3A_7] : memref<1024x1024xf32, #tpu.memory_space<vmem>>, vector<1024x1024xf32>
    %dot_general3A_9 = arith.constant dense<0.000000e+00> : vector<128x1024xf32>
    %dot_general3A_10 = tpu.matmul %get3A_1, %get3A_8, %dot_general3A_9 {dimension_numbers = #tpu.dot_dimension_numbers<[1], [0], [0], [1], [0, 0, 1, 1], [], []>, transpose_lhs_hint = false} : vector<128x1024xf32>, vector<1024x1024xf32>, vector<128x1024xf32> -> vector<128x1024xf32>
    %get3A_11 = arith.constant 0 : index
    %get3A_12 = arith.constant 0 : index
    %get3A_13 = vector.load %arg4[%get3A_11, %get3A_12] : memref<128x32xf32, #tpu.memory_space<vmem>>, vector<128x32xf32>
    %broadcast_in_dim3A = vector.shape_cast %get3A_13 : vector<128x32xf32> to vector<128x1x32xf32>
    %get3A_14 = arith.constant 0 : index
    %get3A_15 = arith.constant 0 : index
    %get3A_16 = vector.load %arg5[%get3A_14, %get3A_15] : memref<128x32xf32, #tpu.memory_space<vmem>>, vector<128x32xf32>
    %broadcast_in_dim3A_17 = vector.shape_cast %get3A_16 : vector<128x32xf32> to vector<128x1x32xf32>
    %reshape3A = vector.shape_cast %dot_general3A_5 : vector<128x1024xf32> to vector<128x16x64xf32>
    %slice3A = vector.extract_strided_slice %reshape3A {offsets = [0, 0, 0], sizes = [128, 16, 32], strides = [1, 1, 1]} : vector<128x16x64xf32> to vector<128x16x32xf32>
    %slice3A_18 = vector.extract_strided_slice %reshape3A {offsets = [0, 0, 32], sizes = [128, 16, 32], strides = [1, 1, 1]} : vector<128x16x64xf32> to vector<128x16x32xf32>
    %mul3A = vector.broadcast %broadcast_in_dim3A : vector<128x1x32xf32> to vector<128x16x32xf32>
    %mul3A_19 = arith.mulf %slice3A, %mul3A : vector<128x16x32xf32>
    %mul3A_20 = vector.broadcast %broadcast_in_dim3A_17 : vector<128x1x32xf32> to vector<128x16x32xf32>
    %mul3A_21 = arith.mulf %slice3A_18, %mul3A_20 : vector<128x16x32xf32>
    %sub3A = arith.subf %mul3A_19, %mul3A_21 : vector<128x16x32xf32>
    %mul3A_22 = vector.broadcast %broadcast_in_dim3A_17 : vector<128x1x32xf32> to vector<128x16x32xf32>
    %mul3A_23 = arith.mulf %slice3A, %mul3A_22 : vector<128x16x32xf32>
    %mul3A_24 = vector.broadcast %broadcast_in_dim3A : vector<128x1x32xf32> to vector<128x16x32xf32>
    %mul3A_25 = arith.mulf %slice3A_18, %mul3A_24 : vector<128x16x32xf32>
    %add3A = arith.addf %mul3A_23, %mul3A_25 : vector<128x16x32xf32>
    %concatenate3A = tpu.concatenate %sub3A, %add3A in 2 : vector<128x16x32xf32>, vector<128x16x32xf32> -> vector<128x16x64xf32>
    %reshape3A_26 = vector.shape_cast %dot_general3A_10 : vector<128x1024xf32> to vector<128x16x64xf32>
    %slice3A_27 = vector.extract_strided_slice %reshape3A_26 {offsets = [0, 0, 0], sizes = [128, 16, 32], strides = [1, 1, 1]} : vector<128x16x64xf32> to vector<128x16x32xf32>
    %slice3A_28 = vector.extract_strided_slice %reshape3A_26 {offsets = [0, 0, 32], sizes = [128, 16, 32], strides = [1, 1, 1]} : vector<128x16x64xf32> to vector<128x16x32xf32>
    %mul3A_29 = vector.broadcast %broadcast_in_dim3A : vector<128x1x32xf32> to vector<128x16x32xf32>
    %mul3A_30 = arith.mulf %slice3A_27, %mul3A_29 : vector<128x16x32xf32>
    %mul3A_31 = vector.broadcast %broadcast_in_dim3A_17 : vector<128x1x32xf32> to vector<128x16x32xf32>
    %mul3A_32 = arith.mulf %slice3A_28, %mul3A_31 : vector<128x16x32xf32>
    %sub3A_33 = arith.subf %mul3A_30, %mul3A_32 : vector<128x16x32xf32>
    %mul3A_34 = vector.broadcast %broadcast_in_dim3A_17 : vector<128x1x32xf32> to vector<128x16x32xf32>
    %mul3A_35 = arith.mulf %slice3A_27, %mul3A_34 : vector<128x16x32xf32>
    %mul3A_36 = vector.broadcast %broadcast_in_dim3A : vector<128x1x32xf32> to vector<128x16x32xf32>
    %mul3A_37 = arith.mulf %slice3A_28, %mul3A_36 : vector<128x16x32xf32>
    %add3A_38 = arith.addf %mul3A_35, %mul3A_37 : vector<128x16x32xf32>
    %concatenate3A_39 = tpu.concatenate %sub3A_33, %add3A_38 in 2 : vector<128x16x32xf32>, vector<128x16x32xf32> -> vector<128x16x64xf32>
    %transpose3A = tpu.transpose %concatenate3A, [1, 0, 2] : vector<128x16x64xf32> -> vector<16x128x64xf32>
    %swap3A = arith.constant 0 : index
    %swap3A_40 = arith.constant 0 : index
    %swap3A_41 = arith.constant 0 : index
    %swap3A_42 = vector.load %arg6[%swap3A, %swap3A_40, %swap3A_41] : memref<16x128x64xf32, #tpu.memory_space<vmem>>, vector<16x128x64xf32>
    tpu.vector_store %arg6[%swap3A, %swap3A_40, %swap3A_41], %transpose3A {strides = array<i32>} : memref<16x128x64xf32, #tpu.memory_space<vmem>>, vector<16x128x64xf32>,
    %transpose3A_43 = tpu.transpose %concatenate3A_39, [1, 0, 2] : vector<128x16x64xf32> -> vector<16x128x64xf32>
    %swap3A_44 = arith.constant 0 : index
    %swap3A_45 = arith.constant 0 : index
    %swap3A_46 = arith.constant 0 : index
    %swap3A_47 = vector.load %arg7[%swap3A_44, %swap3A_45, %swap3A_46] : memref<16x128x64xf32, #tpu.memory_space<vmem>>, vector<16x128x64xf32>
    tpu.vector_store %arg7[%swap3A_44, %swap3A_45, %swap3A_46], %transpose3A_43 {strides = array<i32>} : memref<16x128x64xf32, #tpu.memory_space<vmem>>, vector<16x128x64xf32>,
    %reduce_sum3A = arith.constant dense<0.000000e+00> : vector<16x64xf32>
    %reduce_sum3A_48 = vector.multi_reduction <add>, %concatenate3A_39, %reduce_sum3A [0] : vector<128x16x64xf32> to vector<16x64xf32>
    %div3A = arith.constant 1.280000e+02 : f32
    %div3A_49 = vector.broadcast %div3A : f32 to vector<16x64xf32>
    %div3A_50 = arith.divf %reduce_sum3A_48, %div3A_49 : vector<16x64xf32>
    %reshape3A_51 = vector.shape_cast %div3A_50 : vector<16x64xf32> to vector<16x1x1x64xf32>
    %swap3A_52 = arith.constant 0 : index
    %swap3A_53 = arith.constant 0 : index
    %swap3A_54 = arith.constant 0 : index
    %swap3A_55 = arith.constant 0 : index
    %swap3A_56 = vector.load %arg8[%swap3A_52, %swap3A_53, %swap3A_54, %swap3A_55] : memref<16x1x1x64xf32, #tpu.memory_space<vmem>>, vector<16x1x1x64xf32>
    tpu.vector_store %arg8[%swap3A_52, %swap3A_53, %swap3A_54, %swap3A_55], %reshape3A_51 {strides = array<i32>} : memref<16x1x1x64xf32, #tpu.memory_space<vmem>>, vector<16x1x1x64xf32>,
    return
  }
  func.func @transform_0(%arg0: i32) -> (i32, i32) {
    %c0_i32 = arith.constant 0 : i32
    %c0_i32_0 = arith.constant 0 : i32
    return %arg0, %c0_i32 : i32, i32
  }
  func.func @transform_1(%arg0: i32) -> (i32, i32) {
    %c0_i32 = arith.constant 0 : i32
    %c0_i32_0 = arith.constant 0 : i32
    %c0_i32_1 = arith.constant 0 : i32
    return %c0_i32, %c0_i32_0 : i32, i32
  }
  func.func @transform_2(%arg0: i32) -> (i32, i32) {
    %c0_i32 = arith.constant 0 : i32
    %c0_i32_0 = arith.constant 0 : i32
    %c0_i32_1 = arith.constant 0 : i32
    return %c0_i32, %c0_i32_0 : i32, i32
  }
  func.func @transform_3(%arg0: i32) -> (i32, i32) {
    %c0_i32 = arith.constant 0 : i32
    %c0_i32_0 = arith.constant 0 : i32
    return %arg0, %c0_i32 : i32, i32
  }
  func.func @transform_4(%arg0: i32) -> (i32, i32) {
    %c0_i32 = arith.constant 0 : i32
    %c0_i32_0 = arith.constant 0 : i32
    return %arg0, %c0_i32 : i32, i32
  }
  func.func @transform_5(%arg0: i32) -> (i32, i32, i32) {
    %c0_i32 = arith.constant 0 : i32
    %c0_i32_0 = arith.constant 0 : i32
    %c0_i32_1 = arith.constant 0 : i32
    return %c0_i32, %arg0, %c0_i32_0 : i32, i32, i32
  }
  func.func @transform_6(%arg0: i32) -> (i32, i32, i32) {
    %c0_i32 = arith.constant 0 : i32
    %c0_i32_0 = arith.constant 0 : i32
    %c0_i32_1 = arith.constant 0 : i32
    return %c0_i32, %arg0, %c0_i32_0 : i32, i32, i32
  }
  func.func @transform_7(%arg0: i32) -> (i32, i32, i32, i32) {
    %c0_i32 = arith.constant 0 : i32
    %c0_i32_0 = arith.constant 0 : i32
    %c0_i32_1 = arith.constant 0 : i32
    %c0_i32_2 = arith.constant 0 : i32
    return %c0_i32, %arg0, %c0_i32_0, %c0_i32_1 : i32, i32, i32, i32
  }
}

module attributes {stable_mosaic.version = 14 : i64} {
  func.func @_proj_vg_kernel(%arg0: i32, %arg1: memref<128x1024xf32, #tpu.memory_space<vmem>>, %arg2: memref<1024x1024xf32, #tpu.memory_space<vmem>>, %arg3: memref<1024x32xf32, #tpu.memory_space<vmem>>, %arg4: memref<16x128x128xf32, #tpu.memory_space<vmem>>, %arg5: memref<16x128x2xf32, #tpu.memory_space<vmem>>) attributes {dimension_semantics = [#tpu.dimension_semantics<arbitrary>], iteration_bounds = array<i64: 16>, scalar_prefetch = 0 : i64, scratch_operands = 0 : i64, tpu.core_type = #tpu.core_type<tc>, window_params = [{transform_indices = @transform_0, window_bounds = array<i64: 128, 1024>}, {pipeline_mode = #tpu.pipeline_mode<synchronous>, transform_indices = @transform_1, window_bounds = array<i64: 1024, 1024>}, {pipeline_mode = #tpu.pipeline_mode<synchronous>, transform_indices = @transform_2, window_bounds = array<i64: 1024, 32>}, {transform_indices = @transform_3, window_bounds = array<i64: 16, 128, 128>}, {transform_indices = @transform_4, window_bounds = array<i64: 16, 128, 2>}]} {
    %get3A = arith.constant 0 : index
    %get3A_0 = arith.constant 0 : index
    %get3A_1 = vector.load %arg1[%get3A, %get3A_0] : memref<128x1024xf32, #tpu.memory_space<vmem>>, vector<128x1024xf32>
    %get3A_2 = arith.constant 0 : index
    %get3A_3 = arith.constant 0 : index
    %get3A_4 = vector.load %arg2[%get3A_2, %get3A_3] : memref<1024x1024xf32, #tpu.memory_space<vmem>>, vector<1024x1024xf32>
    %dot_general3A = arith.constant dense<0.000000e+00> : vector<128x1024xf32>
    %dot_general3A_5 = tpu.matmul %get3A_1, %get3A_4, %dot_general3A {dimension_numbers = #tpu.dot_dimension_numbers<[1], [0], [0], [1], [0, 0, 1, 1], [], []>, transpose_lhs_hint = false} : vector<128x1024xf32>, vector<1024x1024xf32>, vector<128x1024xf32> -> vector<128x1024xf32>
    %get3A_6 = arith.constant 0 : index
    %get3A_7 = arith.constant 0 : index
    %get3A_8 = vector.load %arg3[%get3A_6, %get3A_7] : memref<1024x32xf32, #tpu.memory_space<vmem>>, vector<1024x32xf32>
    %dot_general3A_9 = arith.constant dense<0.000000e+00> : vector<128x32xf32>
    %dot_general3A_10 = tpu.matmul %get3A_1, %get3A_8, %dot_general3A_9 {dimension_numbers = #tpu.dot_dimension_numbers<[1], [0], [0], [1], [0, 0, 1, 1], [], []>, transpose_lhs_hint = false} : vector<128x1024xf32>, vector<1024x32xf32>, vector<128x32xf32> -> vector<128x32xf32>
    %reshape3A = vector.shape_cast %dot_general3A_5 : vector<128x1024xf32> to vector<128x16x64xf32>
    %transpose3A = tpu.transpose %reshape3A, [1, 0, 2] : vector<128x16x64xf32> -> vector<16x128x64xf32>
    %broadcast_in_dim3A = arith.constant 1.000000e+00 : f32
    %broadcast_in_dim3A_11 = vector.broadcast %broadcast_in_dim3A : f32 to vector<16x128x1xf32>
    %broadcast_in_dim3A_12 = arith.constant 0.000000e+00 : f32
    %broadcast_in_dim3A_13 = vector.broadcast %broadcast_in_dim3A_12 : f32 to vector<16x128x63xf32>
    %concatenate3A = tpu.concatenate %transpose3A, %broadcast_in_dim3A_11, %broadcast_in_dim3A_13 in 2 : vector<16x128x64xf32>, vector<16x128x1xf32>, vector<16x128x63xf32> -> vector<16x128x128xf32>
    %swap3A = arith.constant 0 : index
    %swap3A_14 = arith.constant 0 : index
    %swap3A_15 = arith.constant 0 : index
    %swap3A_16 = vector.load %arg4[%swap3A, %swap3A_14, %swap3A_15] : memref<16x128x128xf32, #tpu.memory_space<vmem>>, vector<16x128x128xf32>
    tpu.vector_store %arg4[%swap3A, %swap3A_14, %swap3A_15], %concatenate3A {strides = array<i32>} : memref<16x128x128xf32, #tpu.memory_space<vmem>>, vector<16x128x128xf32>,
    %reshape3A_17 = vector.shape_cast %dot_general3A_10 : vector<128x32xf32> to vector<128x16x2xf32>
    %slice3A = vector.extract_strided_slice %reshape3A_17 {offsets = [0, 0, 0], sizes = [128, 16, 1], strides = [1, 1, 1]} : vector<128x16x2xf32> to vector<128x16x1xf32>
    %slice3A_18 = vector.extract_strided_slice %reshape3A_17 {offsets = [0, 0, 1], sizes = [128, 16, 1], strides = [1, 1, 1]} : vector<128x16x2xf32> to vector<128x16x1xf32>
    %max3A = arith.maximumf %slice3A, %slice3A_18 : vector<128x16x1xf32>
    %sub3A = arith.subf %slice3A, %max3A : vector<128x16x1xf32>
    %exp3A = math.exp %sub3A : vector<128x16x1xf32>
    %sub3A_19 = arith.subf %slice3A_18, %max3A : vector<128x16x1xf32>
    %exp3A_20 = math.exp %sub3A_19 : vector<128x16x1xf32>
    %add3A = arith.addf %exp3A, %exp3A_20 : vector<128x16x1xf32>
    %concatenate3A_21 = tpu.concatenate %exp3A, %exp3A_20 in 2 : vector<128x16x1xf32>, vector<128x16x1xf32> -> vector<128x16x2xf32>
    %div3A = vector.broadcast %add3A : vector<128x16x1xf32> to vector<128x16x2xf32>
    %div3A_22 = arith.divf %concatenate3A_21, %div3A : vector<128x16x2xf32>
    %transpose3A_23 = tpu.transpose %div3A_22, [1, 0, 2] : vector<128x16x2xf32> -> vector<16x128x2xf32>
    %swap3A_24 = arith.constant 0 : index
    %swap3A_25 = arith.constant 0 : index
    %swap3A_26 = arith.constant 0 : index
    %swap3A_27 = vector.load %arg5[%swap3A_24, %swap3A_25, %swap3A_26] : memref<16x128x2xf32, #tpu.memory_space<vmem>>, vector<16x128x2xf32>
    tpu.vector_store %arg5[%swap3A_24, %swap3A_25, %swap3A_26], %transpose3A_23 {strides = array<i32>} : memref<16x128x2xf32, #tpu.memory_space<vmem>>, vector<16x128x2xf32>,
    return
  }
  func.func @transform_0(%arg0: i32) -> (i32, i32) {
    %c0_i32 = arith.constant 0 : i32
    %c0_i32_0 = arith.constant 0 : i32
    return %arg0, %c0_i32 : i32, i32
  }
  func.func @transform_1(%arg0: i32) -> (i32, i32) {
    %c0_i32 = arith.constant 0 : i32
    %c0_i32_0 = arith.constant 0 : i32
    %c0_i32_1 = arith.constant 0 : i32
    return %c0_i32, %c0_i32_0 : i32, i32
  }
  func.func @transform_2(%arg0: i32) -> (i32, i32) {
    %c0_i32 = arith.constant 0 : i32
    %c0_i32_0 = arith.constant 0 : i32
    %c0_i32_1 = arith.constant 0 : i32
    return %c0_i32, %c0_i32_0 : i32, i32
  }
  func.func @transform_3(%arg0: i32) -> (i32, i32, i32) {
    %c0_i32 = arith.constant 0 : i32
    %c0_i32_0 = arith.constant 0 : i32
    %c0_i32_1 = arith.constant 0 : i32
    return %c0_i32, %arg0, %c0_i32_0 : i32, i32, i32
  }
  func.func @transform_4(%arg0: i32) -> (i32, i32, i32) {
    %c0_i32 = arith.constant 0 : i32
    %c0_i32_0 = arith.constant 0 : i32
    %c0_i32_1 = arith.constant 0 : i32
    return %c0_i32, %arg0, %c0_i32_0 : i32, i32, i32
  }
}

module attributes {stable_mosaic.version = 14 : i64} {
  func.func @_attn_kernel(%arg0: i32, %arg1: i32, %arg2: memref<2x512x64xf32, #tpu.memory_space<vmem>>, %arg3: memref<2x2048x64xf32, #tpu.memory_space<vmem>>, %arg4: memref<2x2048x128xf32, #tpu.memory_space<vmem>>, %arg5: memref<2x16x512xf32, #tpu.memory_space<vmem>>, %arg6: memref<2x512x2xf32, #tpu.memory_space<vmem>>, %arg7: memref<16x2048xf32, #tpu.memory_space<vmem>>, %arg8: memref<512x128xf32, #tpu.memory_space<vmem>>) attributes {dimension_semantics = [#tpu.dimension_semantics<arbitrary>, #tpu.dimension_semantics<arbitrary>], iteration_bounds = array<i64: 8, 4>, scalar_prefetch = 0 : i64, scratch_operands = 0 : i64, tpu.core_type = #tpu.core_type<tc>, window_params = [{transform_indices = @transform_0, window_bounds = array<i64: 2, 512, 64>}, {transform_indices = @transform_1, window_bounds = array<i64: 2, 2048, 64>}, {transform_indices = @transform_2, window_bounds = array<i64: 2, 2048, 128>}, {transform_indices = @transform_3, window_bounds = array<i64: 2, 16, 512>}, {transform_indices = @transform_4, window_bounds = array<i64: 2, 512, 2>}, {pipeline_mode = #tpu.pipeline_mode<synchronous>, transform_indices = @transform_5, window_bounds = array<i64: 16, 2048>}, {transform_indices = @transform_6, window_bounds = array<i64: 512, 128>}]} {
    %iota3A = tpu.iota {dimensions = array<i32: 0>} : vector<512x512xi32>
    %iota3A_0 = tpu.iota {dimensions = array<i32: 1>} : vector<512x512xi32>
    %le3A = arith.cmpi sle, %iota3A_0, %iota3A : vector<512x512xi32>
    %jit3A = arith.constant 128 : i32
    %div3A = vector.broadcast %jit3A : i32 to vector<512x512xi32>
    %div3A_1 = arith.divsi %iota3A, %div3A : vector<512x512xi32>
    %sign3A = arith.constant 0 : i32
    %sign3A_2 = vector.broadcast %sign3A : i32 to vector<512x512xi32>
    %sign3A_3 = arith.cmpi sgt, %iota3A, %sign3A_2 : vector<512x512xi32>
    %sign3A_4 = arith.extui %sign3A_3 : vector<512x512xi1> to vector<512x512xi32>
    %sign3A_5 = arith.constant 0 : i32
    %sign3A_6 = vector.broadcast %sign3A_5 : i32 to vector<512x512xi32>
    %sign3A_7 = arith.cmpi slt, %iota3A, %sign3A_6 : vector<512x512xi32>
    %sign3A_8 = arith.extui %sign3A_7 : vector<512x512xi1> to vector<512x512xi32>
    %sign3A_9 = arith.subi %sign3A_4, %sign3A_8 : vector<512x512xi32>
    %sign3A_10 = arith.constant 0 : i32
    %sign3A_11 = arith.cmpi sgt, %jit3A, %sign3A_10 : i32
    %sign3A_12 = arith.extui %sign3A_11 : i1 to i32
    %sign3A_13 = arith.constant 0 : i32
    %sign3A_14 = arith.cmpi slt, %jit3A, %sign3A_13 : i32
    %sign3A_15 = arith.extui %sign3A_14 : i1 to i32
    %sign3A_16 = arith.subi %sign3A_12, %sign3A_15 : i32
    %ne3A = vector.broadcast %sign3A_16 : i32 to vector<512x512xi32>
    %ne3A_17 = arith.cmpi ne, %sign3A_9, %ne3A : vector<512x512xi32>
    %rem3A = vector.broadcast %jit3A : i32 to vector<512x512xi32>
    %rem3A_18 = arith.remsi %iota3A, %rem3A : vector<512x512xi32>
    %ne3A_19 = arith.constant 0 : i32
    %ne3A_20 = vector.broadcast %ne3A_19 : i32 to vector<512x512xi32>
    %ne3A_21 = arith.cmpi ne, %rem3A_18, %ne3A_20 : vector<512x512xi32>
    %and3A = arith.andi %ne3A_17, %ne3A_21 : vector<512x512xi1>
    %sub3A = arith.constant 1 : i32
    %sub3A_22 = vector.broadcast %sub3A : i32 to vector<512x512xi32>
    %sub3A_23 = arith.subi %div3A_1, %sub3A_22 : vector<512x512xi32>
    %select_n3A = arith.select %and3A, %sub3A_23, %div3A_1 : vector<512x512xi1>, vector<512x512xi32>
    %jit3A_24 = arith.constant 128 : i32
    %div3A_25 = vector.broadcast %jit3A_24 : i32 to vector<512x512xi32>
    %div3A_26 = arith.divsi %iota3A_0, %div3A_25 : vector<512x512xi32>
    %sign3A_27 = arith.constant 0 : i32
    %sign3A_28 = vector.broadcast %sign3A_27 : i32 to vector<512x512xi32>
    %sign3A_29 = arith.cmpi sgt, %iota3A_0, %sign3A_28 : vector<512x512xi32>
    %sign3A_30 = arith.extui %sign3A_29 : vector<512x512xi1> to vector<512x512xi32>
    %sign3A_31 = arith.constant 0 : i32
    %sign3A_32 = vector.broadcast %sign3A_31 : i32 to vector<512x512xi32>
    %sign3A_33 = arith.cmpi slt, %iota3A_0, %sign3A_32 : vector<512x512xi32>
    %sign3A_34 = arith.extui %sign3A_33 : vector<512x512xi1> to vector<512x512xi32>
    %sign3A_35 = arith.subi %sign3A_30, %sign3A_34 : vector<512x512xi32>
    %sign3A_36 = arith.constant 0 : i32
    %sign3A_37 = arith.cmpi sgt, %jit3A_24, %sign3A_36 : i32
    %sign3A_38 = arith.extui %sign3A_37 : i1 to i32
    %sign3A_39 = arith.constant 0 : i32
    %sign3A_40 = arith.cmpi slt, %jit3A_24, %sign3A_39 : i32
    %sign3A_41 = arith.extui %sign3A_40 : i1 to i32
    %sign3A_42 = arith.subi %sign3A_38, %sign3A_41 : i32
    %ne3A_43 = vector.broadcast %sign3A_42 : i32 to vector<512x512xi32>
    %ne3A_44 = arith.cmpi ne, %sign3A_35, %ne3A_43 : vector<512x512xi32>
    %rem3A_45 = vector.broadcast %jit3A_24 : i32 to vector<512x512xi32>
    %rem3A_46 = arith.remsi %iota3A_0, %rem3A_45 : vector<512x512xi32>
    %ne3A_47 = arith.constant 0 : i32
    %ne3A_48 = vector.broadcast %ne3A_47 : i32 to vector<512x512xi32>
    %ne3A_49 = arith.cmpi ne, %rem3A_46, %ne3A_48 : vector<512x512xi32>
    %and3A_50 = arith.andi %ne3A_44, %ne3A_49 : vector<512x512xi1>
    %sub3A_51 = arith.constant 1 : i32
    %sub3A_52 = vector.broadcast %sub3A_51 : i32 to vector<512x512xi32>
    %sub3A_53 = arith.subi %div3A_26, %sub3A_52 : vector<512x512xi32>
    %select_n3A_54 = arith.select %and3A_50, %sub3A_53, %div3A_26 : vector<512x512xi1>, vector<512x512xi32>
    %eq3A = arith.cmpi eq, %select_n3A, %select_n3A_54 : vector<512x512xi32>
    %and3A_55 = arith.andi %le3A, %eq3A : vector<512x512xi1>
    %get3A = arith.constant 0 : index
    %get3A_56 = arith.constant 0 : index
    %get3A_57 = vector.load %arg7[%get3A, %get3A_56] : memref<16x2048xf32, #tpu.memory_space<vmem>>, vector<16x2048xf32>
    %get3A_58 = arith.constant 0 : index
    %get3A_59 = arith.constant 0 : index
    %get3A_60 = arith.constant 0 : index
    %get3A_61 = vector.load %arg2[%get3A_58, %get3A_59, %get3A_60] : memref<2x512x64xf32, #tpu.memory_space<vmem>>, vector<1x512x64xf32>
    %get3A_62 = vector.shape_cast %get3A_61 : vector<1x512x64xf32> to vector<512x64xf32>
    %get3A_63 = arith.constant 0 : index
    %get3A_64 = arith.constant 0 : index
    %get3A_65 = arith.constant 0 : index
    %get3A_66 = vector.load %arg3[%get3A_63, %get3A_64, %get3A_65] : memref<2x2048x64xf32, #tpu.memory_space<vmem>>, vector<1x2048x64xf32>
    %get3A_67 = vector.shape_cast %get3A_66 : vector<1x2048x64xf32> to vector<2048x64xf32>
    %get3A_68 = arith.constant 0 : index
    %get3A_69 = arith.constant 0 : index
    %get3A_70 = arith.constant 0 : index
    %get3A_71 = vector.load %arg4[%get3A_68, %get3A_69, %get3A_70] : memref<2x2048x128xf32, #tpu.memory_space<vmem>>, vector<1x2048x128xf32>
    %get3A_72 = vector.shape_cast %get3A_71 : vector<1x2048x128xf32> to vector<2048x128xf32>
    %dot_general3A = arith.constant dense<0.000000e+00> : vector<512x2048xf32>
    %dot_general3A_73 = tpu.matmul %get3A_62, %get3A_67, %dot_general3A {dimension_numbers = #tpu.dot_dimension_numbers<[1], [1], [0], [0], [0, 0, 1, 0], [], []>, transpose_lhs_hint = false} : vector<512x64xf32>, vector<2048x64xf32>, vector<512x2048xf32> -> vector<512x2048xf32>
    %mul3A = arith.constant 1.250000e-01 : f32
    %mul3A_74 = vector.broadcast %mul3A : f32 to vector<512x2048xf32>
    %mul3A_75 = arith.mulf %dot_general3A_73, %mul3A_74 : vector<512x2048xf32>
    %get3A_76 = arith.constant 0 : index
    %get3A_77 = arith.constant 0 : index
    %get3A_78 = arith.constant 0 : index
    %get3A_79 = vector.load %arg5[%get3A_76, %get3A_77, %get3A_78] : memref<2x16x512xf32, #tpu.memory_space<vmem>>, vector<1x16x512xf32>
    %get3A_80 = vector.shape_cast %get3A_79 : vector<1x16x512xf32> to vector<16x512xf32>
    %dot_general3A_81 = arith.constant dense<0.000000e+00> : vector<512x2048xf32>
    %dot_general3A_82 = tpu.matmul %get3A_80, %get3A_57, %dot_general3A_81 {dimension_numbers = #tpu.dot_dimension_numbers<[0], [0], [1], [1], [0, 1, 1, 1], [], []>, transpose_lhs_hint = false} : vector<16x512xf32>, vector<16x2048xf32>, vector<512x2048xf32> -> vector<512x2048xf32>
    %add3A = arith.addf %mul3A_75, %dot_general3A_82 : vector<512x2048xf32>
    %exp3A = math.exp %add3A : vector<512x2048xf32>
    %dot_general3A_83 = arith.constant dense<0.000000e+00> : vector<512x128xf32>
    %dot_general3A_84 = tpu.matmul %exp3A, %get3A_72, %dot_general3A_83 {dimension_numbers = #tpu.dot_dimension_numbers<[1], [0], [0], [1], [0, 0, 1, 1], [], []>, transpose_lhs_hint = false} : vector<512x2048xf32>, vector<2048x128xf32>, vector<512x128xf32> -> vector<512x128xf32>
    %mul3A_85 = arith.constant 512 : i32
    %mul3A_86 = arith.muli %arg1, %mul3A_85 : i32
    %get3A_87 = arith.constant 0 : index
    %get3A_88 = arith.index_cast %mul3A_86 : i32 to index
    %get3A_89 = arith.constant 0 : index
    %get3A_90 = vector.load %arg3[%get3A_87, %get3A_88, %get3A_89] : memref<2x2048x64xf32, #tpu.memory_space<vmem>>, vector<1x512x64xf32>
    %get3A_91 = vector.shape_cast %get3A_90 : vector<1x512x64xf32> to vector<512x64xf32>
    %mul3A_92 = arith.constant 512 : i32
    %mul3A_93 = arith.muli %arg1, %mul3A_92 : i32
    %get3A_94 = arith.constant 0 : index
    %get3A_95 = arith.index_cast %mul3A_93 : i32 to index
    %get3A_96 = arith.constant 0 : index
    %get3A_97 = vector.load %arg4[%get3A_94, %get3A_95, %get3A_96] : memref<2x2048x128xf32, #tpu.memory_space<vmem>>, vector<1x512x128xf32>
    %get3A_98 = vector.shape_cast %get3A_97 : vector<1x512x128xf32> to vector<512x128xf32>
    %dot_general3A_99 = arith.constant dense<0.000000e+00> : vector<512x512xf32>
    %dot_general3A_100 = tpu.matmul %get3A_62, %get3A_91, %dot_general3A_99 {dimension_numbers = #tpu.dot_dimension_numbers<[1], [1], [0], [0], [0, 0, 1, 0], [], []>, transpose_lhs_hint = false} : vector<512x64xf32>, vector<512x64xf32>, vector<512x512xf32> -> vector<512x512xf32>
    %mul3A_101 = arith.constant 1.250000e-01 : f32
    %mul3A_102 = vector.broadcast %mul3A_101 : f32 to vector<512x512xf32>
    %mul3A_103 = arith.mulf %dot_general3A_100, %mul3A_102 : vector<512x512xf32>
    %jit3A_104 = arith.constant -1.000000e+30 : f32
    %broadcast_in_dim3A = vector.broadcast %jit3A_104 : f32 to vector<512x512xf32>
    %select_n3A_105 = arith.select %and3A_55, %mul3A_103, %broadcast_in_dim3A : vector<512x512xi1>, vector<512x512xf32>
    %exp3A_106 = math.exp %select_n3A_105 : vector<512x512xf32>
    %dot_general3A_107 = arith.constant dense<0.000000e+00> : vector<512x128xf32>
    %dot_general3A_108 = tpu.matmul %exp3A_106, %get3A_98, %dot_general3A_107 {dimension_numbers = #tpu.dot_dimension_numbers<[1], [0], [0], [1], [0, 0, 1, 1], [], []>, transpose_lhs_hint = false} : vector<512x512xf32>, vector<512x128xf32>, vector<512x128xf32> -> vector<512x128xf32>
    %get3A_109 = arith.constant 0 : index
    %get3A_110 = arith.constant 0 : index
    %get3A_111 = arith.constant 0 : index
    %get3A_112 = vector.load %arg6[%get3A_109, %get3A_110, %get3A_111] : memref<2x512x2xf32, #tpu.memory_space<vmem>>, vector<1x512x2xf32>
    %get3A_113 = vector.shape_cast %get3A_112 : vector<1x512x2xf32> to vector<512x2xf32>
    %slice3A = vector.extract_strided_slice %get3A_113 {offsets = [0, 0], sizes = [512, 1], strides = [1, 1]} : vector<512x2xf32> to vector<512x1xf32>
    %slice3A_114 = vector.extract_strided_slice %get3A_113 {offsets = [0, 1], sizes = [512, 1], strides = [1, 1]} : vector<512x2xf32> to vector<512x1xf32>
    %slice3A_115 = vector.extract_strided_slice %dot_general3A_84 {offsets = [0, 64], sizes = [512, 1], strides = [1, 1]} : vector<512x128xf32> to vector<512x1xf32>
    %slice3A_116 = vector.extract_strided_slice %dot_general3A_108 {offsets = [0, 64], sizes = [512, 1], strides = [1, 1]} : vector<512x128xf32> to vector<512x1xf32>
    %slice3A_117 = vector.extract_strided_slice %dot_general3A_84 {offsets = [0, 0], sizes = [512, 64], strides = [1, 1]} : vector<512x128xf32> to vector<512x64xf32>
    %div3A_118 = arith.divf %slice3A, %slice3A_115 : vector<512x1xf32>
    %mul3A_119 = vector.broadcast %div3A_118 : vector<512x1xf32> to vector<512x64xf32>
    %mul3A_120 = arith.mulf %slice3A_117, %mul3A_119 : vector<512x64xf32>
    %slice3A_121 = vector.extract_strided_slice %dot_general3A_108 {offsets = [0, 0], sizes = [512, 64], strides = [1, 1]} : vector<512x128xf32> to vector<512x64xf32>
    %div3A_122 = arith.divf %slice3A_114, %slice3A_116 : vector<512x1xf32>
    %mul3A_123 = vector.broadcast %div3A_122 : vector<512x1xf32> to vector<512x64xf32>
    %mul3A_124 = arith.mulf %slice3A_121, %mul3A_123 : vector<512x64xf32>
    %add3A_125 = arith.addf %mul3A_120, %mul3A_124 : vector<512x64xf32>
    %get3A_126 = arith.constant 1 : index
    %get3A_127 = arith.constant 0 : index
    %get3A_128 = arith.constant 0 : index
    %get3A_129 = vector.load %arg2[%get3A_126, %get3A_127, %get3A_128] : memref<2x512x64xf32, #tpu.memory_space<vmem>>, vector<1x512x64xf32>
    %get3A_130 = vector.shape_cast %get3A_129 : vector<1x512x64xf32> to vector<512x64xf32>
    %get3A_131 = arith.constant 1 : index
    %get3A_132 = arith.constant 0 : index
    %get3A_133 = arith.constant 0 : index
    %get3A_134 = vector.load %arg3[%get3A_131, %get3A_132, %get3A_133] : memref<2x2048x64xf32, #tpu.memory_space<vmem>>, vector<1x2048x64xf32>
    %get3A_135 = vector.shape_cast %get3A_134 : vector<1x2048x64xf32> to vector<2048x64xf32>
    %get3A_136 = arith.constant 1 : index
    %get3A_137 = arith.constant 0 : index
    %get3A_138 = arith.constant 0 : index
    %get3A_139 = vector.load %arg4[%get3A_136, %get3A_137, %get3A_138] : memref<2x2048x128xf32, #tpu.memory_space<vmem>>, vector<1x2048x128xf32>
    %get3A_140 = vector.shape_cast %get3A_139 : vector<1x2048x128xf32> to vector<2048x128xf32>
    %dot_general3A_141 = arith.constant dense<0.000000e+00> : vector<512x2048xf32>
    %dot_general3A_142 = tpu.matmul %get3A_130, %get3A_135, %dot_general3A_141 {dimension_numbers = #tpu.dot_dimension_numbers<[1], [1], [0], [0], [0, 0, 1, 0], [], []>, transpose_lhs_hint = false} : vector<512x64xf32>, vector<2048x64xf32>, vector<512x2048xf32> -> vector<512x2048xf32>
    %mul3A_143 = arith.constant 1.250000e-01 : f32
    %mul3A_144 = vector.broadcast %mul3A_143 : f32 to vector<512x2048xf32>
    %mul3A_145 = arith.mulf %dot_general3A_142, %mul3A_144 : vector<512x2048xf32>
    %get3A_146 = arith.constant 1 : index
    %get3A_147 = arith.constant 0 : index
    %get3A_148 = arith.constant 0 : index
    %get3A_149 = vector.load %arg5[%get3A_146, %get3A_147, %get3A_148] : memref<2x16x512xf32, #tpu.memory_space<vmem>>, vector<1x16x512xf32>
    %get3A_150 = vector.shape_cast %get3A_149 : vector<1x16x512xf32> to vector<16x512xf32>
    %dot_general3A_151 = arith.constant dense<0.000000e+00> : vector<512x2048xf32>
    %dot_general3A_152 = tpu.matmul %get3A_150, %get3A_57, %dot_general3A_151 {dimension_numbers = #tpu.dot_dimension_numbers<[0], [0], [1], [1], [0, 1, 1, 1], [], []>, transpose_lhs_hint = false} : vector<16x512xf32>, vector<16x2048xf32>, vector<512x2048xf32> -> vector<512x2048xf32>
    %add3A_153 = arith.addf %mul3A_145, %dot_general3A_152 : vector<512x2048xf32>
    %exp3A_154 = math.exp %add3A_153 : vector<512x2048xf32>
    %dot_general3A_155 = arith.constant dense<0.000000e+00> : vector<512x128xf32>
    %dot_general3A_156 = tpu.matmul %exp3A_154, %get3A_140, %dot_general3A_155 {dimension_numbers = #tpu.dot_dimension_numbers<[1], [0], [0], [1], [0, 0, 1, 1], [], []>, transpose_lhs_hint = false} : vector<512x2048xf32>, vector<2048x128xf32>, vector<512x128xf32> -> vector<512x128xf32>
    %mul3A_157 = arith.constant 512 : i32
    %mul3A_158 = arith.muli %arg1, %mul3A_157 : i32
    %get3A_159 = arith.constant 1 : index
    %get3A_160 = arith.index_cast %mul3A_158 : i32 to index
    %get3A_161 = arith.constant 0 : index
    %get3A_162 = vector.load %arg3[%get3A_159, %get3A_160, %get3A_161] : memref<2x2048x64xf32, #tpu.memory_space<vmem>>, vector<1x512x64xf32>
    %get3A_163 = vector.shape_cast %get3A_162 : vector<1x512x64xf32> to vector<512x64xf32>
    %mul3A_164 = arith.constant 512 : i32
    %mul3A_165 = arith.muli %arg1, %mul3A_164 : i32
    %get3A_166 = arith.constant 1 : index
    %get3A_167 = arith.index_cast %mul3A_165 : i32 to index
    %get3A_168 = arith.constant 0 : index
    %get3A_169 = vector.load %arg4[%get3A_166, %get3A_167, %get3A_168] : memref<2x2048x128xf32, #tpu.memory_space<vmem>>, vector<1x512x128xf32>
    %get3A_170 = vector.shape_cast %get3A_169 : vector<1x512x128xf32> to vector<512x128xf32>
    %dot_general3A_171 = arith.constant dense<0.000000e+00> : vector<512x512xf32>
    %dot_general3A_172 = tpu.matmul %get3A_130, %get3A_163, %dot_general3A_171 {dimension_numbers = #tpu.dot_dimension_numbers<[1], [1], [0], [0], [0, 0, 1, 0], [], []>, transpose_lhs_hint = false} : vector<512x64xf32>, vector<512x64xf32>, vector<512x512xf32> -> vector<512x512xf32>
    %mul3A_173 = arith.constant 1.250000e-01 : f32
    %mul3A_174 = vector.broadcast %mul3A_173 : f32 to vector<512x512xf32>
    %mul3A_175 = arith.mulf %dot_general3A_172, %mul3A_174 : vector<512x512xf32>
    %jit3A_176 = arith.constant -1.000000e+30 : f32
    %broadcast_in_dim3A_177 = vector.broadcast %jit3A_176 : f32 to vector<512x512xf32>
    %select_n3A_178 = arith.select %and3A_55, %mul3A_175, %broadcast_in_dim3A_177 : vector<512x512xi1>, vector<512x512xf32>
    %exp3A_179 = math.exp %select_n3A_178 : vector<512x512xf32>
    %dot_general3A_180 = arith.constant dense<0.000000e+00> : vector<512x128xf32>
    %dot_general3A_181 = tpu.matmul %exp3A_179, %get3A_170, %dot_general3A_180 {dimension_numbers = #tpu.dot_dimension_numbers<[1], [0], [0], [1], [0, 0, 1, 1], [], []>, transpose_lhs_hint = false} : vector<512x512xf32>, vector<512x128xf32>, vector<512x128xf32> -> vector<512x128xf32>
    %get3A_182 = arith.constant 1 : index
    %get3A_183 = arith.constant 0 : index
    %get3A_184 = arith.constant 0 : index
    %get3A_185 = vector.load %arg6[%get3A_182, %get3A_183, %get3A_184] : memref<2x512x2xf32, #tpu.memory_space<vmem>>, vector<1x512x2xf32>
    %get3A_186 = vector.shape_cast %get3A_185 : vector<1x512x2xf32> to vector<512x2xf32>
    %slice3A_187 = vector.extract_strided_slice %get3A_186 {offsets = [0, 0], sizes = [512, 1], strides = [1, 1]} : vector<512x2xf32> to vector<512x1xf32>
    %slice3A_188 = vector.extract_strided_slice %get3A_186 {offsets = [0, 1], sizes = [512, 1], strides = [1, 1]} : vector<512x2xf32> to vector<512x1xf32>
    %slice3A_189 = vector.extract_strided_slice %dot_general3A_156 {offsets = [0, 64], sizes = [512, 1], strides = [1, 1]} : vector<512x128xf32> to vector<512x1xf32>
    %slice3A_190 = vector.extract_strided_slice %dot_general3A_181 {offsets = [0, 64], sizes = [512, 1], strides = [1, 1]} : vector<512x128xf32> to vector<512x1xf32>
    %slice3A_191 = vector.extract_strided_slice %dot_general3A_156 {offsets = [0, 0], sizes = [512, 64], strides = [1, 1]} : vector<512x128xf32> to vector<512x64xf32>
    %div3A_192 = arith.divf %slice3A_187, %slice3A_189 : vector<512x1xf32>
    %mul3A_193 = vector.broadcast %div3A_192 : vector<512x1xf32> to vector<512x64xf32>
    %mul3A_194 = arith.mulf %slice3A_191, %mul3A_193 : vector<512x64xf32>
    %slice3A_195 = vector.extract_strided_slice %dot_general3A_181 {offsets = [0, 0], sizes = [512, 64], strides = [1, 1]} : vector<512x128xf32> to vector<512x64xf32>
    %div3A_196 = arith.divf %slice3A_188, %slice3A_190 : vector<512x1xf32>
    %mul3A_197 = vector.broadcast %div3A_196 : vector<512x1xf32> to vector<512x64xf32>
    %mul3A_198 = arith.mulf %slice3A_195, %mul3A_197 : vector<512x64xf32>
    %add3A_199 = arith.addf %mul3A_194, %mul3A_198 : vector<512x64xf32>
    %concatenate3A = tpu.concatenate %add3A_125, %add3A_199 in 1 : vector<512x64xf32>, vector<512x64xf32> -> vector<512x128xf32>
    %swap3A = arith.constant 0 : index
    %swap3A_200 = arith.constant 0 : index
    %swap3A_201 = vector.load %arg8[%swap3A, %swap3A_200] : memref<512x128xf32, #tpu.memory_space<vmem>>, vector<512x128xf32>
    tpu.vector_store %arg8[%swap3A, %swap3A_200], %concatenate3A {strides = array<i32>} : memref<512x128xf32, #tpu.memory_space<vmem>>, vector<512x128xf32>,
    return
  }
  func.func @transform_0(%arg0: i32, %arg1: i32) -> (i32, i32, i32) {
    %c0_i32 = arith.constant 0 : i32
    %c0_i32_0 = arith.constant 0 : i32
    return %arg0, %arg1, %c0_i32 : i32, i32, i32
  }
  func.func @transform_1(%arg0: i32, %arg1: i32) -> (i32, i32, i32) {
    %c0_i32 = arith.constant 0 : i32
    %c0_i32_0 = arith.constant 0 : i32
    %c0_i32_1 = arith.constant 0 : i32
    return %arg0, %c0_i32, %c0_i32_0 : i32, i32, i32
  }
  func.func @transform_2(%arg0: i32, %arg1: i32) -> (i32, i32, i32) {
    %c0_i32 = arith.constant 0 : i32
    %c0_i32_0 = arith.constant 0 : i32
    %c0_i32_1 = arith.constant 0 : i32
    return %arg0, %c0_i32, %c0_i32_0 : i32, i32, i32
  }
  func.func @transform_3(%arg0: i32, %arg1: i32) -> (i32, i32, i32) {
    %c0_i32 = arith.constant 0 : i32
    %c0_i32_0 = arith.constant 0 : i32
    return %arg0, %c0_i32, %arg1 : i32, i32, i32
  }
  func.func @transform_4(%arg0: i32, %arg1: i32) -> (i32, i32, i32) {
    %c0_i32 = arith.constant 0 : i32
    %c0_i32_0 = arith.constant 0 : i32
    return %arg0, %arg1, %c0_i32 : i32, i32, i32
  }
  func.func @transform_5(%arg0: i32, %arg1: i32) -> (i32, i32) {
    %c0_i32 = arith.constant 0 : i32
    %c0_i32_0 = arith.constant 0 : i32
    %c0_i32_1 = arith.constant 0 : i32
    return %c0_i32, %c0_i32_0 : i32, i32
  }
  func.func @transform_6(%arg0: i32, %arg1: i32) -> (i32, i32) {
    %c0_i32 = arith.constant 0 : i32
    return %arg1, %arg0 : i32, i32
  }
}

module attributes {stable_mosaic.version = 14 : i64} {
  func.func @_out_kernel(%arg0: i32, %arg1: memref<256x1024xf32, #tpu.memory_space<vmem>>, %arg2: memref<1024x1024xf32, #tpu.memory_space<vmem>>, %arg3: memref<256x1024xf32, #tpu.memory_space<vmem>>) attributes {dimension_semantics = [#tpu.dimension_semantics<arbitrary>], iteration_bounds = array<i64: 8>, scalar_prefetch = 0 : i64, scratch_operands = 0 : i64, tpu.core_type = #tpu.core_type<tc>, window_params = [{transform_indices = @transform_0, window_bounds = array<i64: 256, 1024>}, {pipeline_mode = #tpu.pipeline_mode<synchronous>, transform_indices = @transform_1, window_bounds = array<i64: 1024, 1024>}, {transform_indices = @transform_2, window_bounds = array<i64: 256, 1024>}]} {
    %get3A = arith.constant 0 : index
    %get3A_0 = arith.constant 0 : index
    %get3A_1 = vector.load %arg1[%get3A, %get3A_0] : memref<256x1024xf32, #tpu.memory_space<vmem>>, vector<256x1024xf32>
    %get3A_2 = arith.constant 0 : index
    %get3A_3 = arith.constant 0 : index
    %get3A_4 = vector.load %arg2[%get3A_2, %get3A_3] : memref<1024x1024xf32, #tpu.memory_space<vmem>>, vector<1024x1024xf32>
    %dot_general3A = arith.constant dense<0.000000e+00> : vector<256x1024xf32>
    %dot_general3A_5 = tpu.matmul %get3A_1, %get3A_4, %dot_general3A {dimension_numbers = #tpu.dot_dimension_numbers<[1], [0], [0], [1], [0, 0, 1, 1], [], []>, transpose_lhs_hint = false} : vector<256x1024xf32>, vector<1024x1024xf32>, vector<256x1024xf32> -> vector<256x1024xf32>
    %swap3A = arith.constant 0 : index
    %swap3A_6 = arith.constant 0 : index
    %swap3A_7 = vector.load %arg3[%swap3A, %swap3A_6] : memref<256x1024xf32, #tpu.memory_space<vmem>>, vector<256x1024xf32>
    tpu.vector_store %arg3[%swap3A, %swap3A_6], %dot_general3A_5 {strides = array<i32>} : memref<256x1024xf32, #tpu.memory_space<vmem>>, vector<256x1024xf32>,
    return
  }
  func.func @transform_0(%arg0: i32) -> (i32, i32) {
    %c0_i32 = arith.constant 0 : i32
    %c0_i32_0 = arith.constant 0 : i32
    return %arg0, %c0_i32 : i32, i32
  }
  func.func @transform_1(%arg0: i32) -> (i32, i32) {
    %c0_i32 = arith.constant 0 : i32
    %c0_i32_0 = arith.constant 0 : i32
    %c0_i32_1 = arith.constant 0 : i32
    return %c0_i32, %c0_i32_0 : i32, i32
  }
  func.func @transform_2(%arg0: i32) -> (i32, i32) {
    %c0_i32 = arith.constant 0 : i32
    %c0_i32_0 = arith.constant 0 : i32
    return %arg0, %c0_i32 : i32, i32
  }
}

</mosaic_0001>

<sc_bundles>
// kernel: kernel.8.cloned.1.call-start
scs
__scs_entry_jumppad:
0x0: {  	(pc) =	sbr.rel $0x88, $3  }
0x1: {  	(tag) =	ssettag $0x0;
	lr =	simm.s32 $0x1  }
0x2: {  	[smem:$0x3F9B] =	sst lr;
	_ =	strace $0xD0000000  }
0x3: {  	_ = 	snop  }
0x4: {  	_ = 	snop  }
0x5: {  	_ = 	snop  }
0x6: {  	_ = 	snop  }
0x7: {  	_ = 	snop  }
__scs_overlays_trampoline_lowered:
0x8: {  	[smem:$0x3FAA] =	sst s0  }
0x9: {  	[smem:$0x3FAB] =	sst s1  }
0xa: {  	[smem:$0x3FAC] =	sst s2  }
0xb: {  	[smem:$0x3FAD] =	sst s3  }
0xc: {  	[smem:$0x3FAE] =	sst s4  }
0xd: {  	[smem:$0x3FAF] =	sst s5  }
0xe: {  	[smem:$0x3FB0] =	sst s6  }
0xf: {  	[smem:$0x3FB1] =	sst s7  }
0x10: {  	[smem:$0x3FB2] =	sst s8  }
0x11: {  	[smem:$0x3FB3] =	sst s9;
	s0 =	simm.s32 @!p0 $0x0  }
0x12: {  	s1 =	sld [smem:$0x3F99];
	s0 =	simm.s32 @p0 $0x1  }
0x13: {  	[smem:$0x3FB4] =	sst s0;
	s0 =	simm.s32 @!p1 $0x0  }
0x14: {  	s2 =	sld [smem:$0x3F98];
	s0 =	simm.s32 @p1 $0x1  }
0x15: {  	[smem:$0x3FB5] =	sst s0;
	s0 =	simm.s32 @!p2 $0x0  }
0x16: {  	s3 =	sld [smem:$0x3FDB];
	s0 =	simm.s32 @p2 $0x1  }
0x17: {  	s4 =	simm.s32 $0x1BF5;
	[smem:$0x3FB7] =	sst s0  }
0x18: {  	s0 =	sld [smem:$0x3F9A];
	_ =	swait.ge [sflag:s4], $0x0  }
0x19: {  	s7 =	sld [smem:$0x3F9B]  }
0x1a: {  	s8 =	sadd.s32 $0xFFFFE003, lr  }
0x1b: {  	s9 =	sadd.s32 $0xFFFFFEF7, lr;
	s5 =	simm.s32 $0xFFFFFFFF;
	p2 =	slt.u32 s8, $0xFFFFF086  }
0x1c: {  	p1 =	slt.u32 s9, $0xF7A;
	s5 =	simm.s32 @!p2 $0x0  }
0x1d: {  	s5 =	simm.s32 @p1 $0x1;
	p0 =	seq.s32 s7, s2  }
0x1e: {  	s7 =	smul.u32 @!p0 $0xF7A, s2;
	p2 =	seq.s32 @!p0 s5, $0x0  }
0x1f: {  	s9 =	smul.u32 $0xF7A, s1;
	s8 =	simm.s32 @!p0 $0x1BF5;
	p2 =	por !p2, p0  }
0x20: {  	[sflag:s8] =	ssyncset.s32 @!p0 $0xFFFFF086;
	s6 =	sadd.s32 @!p0 s3, s7;
	s7 =	simm.s32 @!p0 $0x108  }
0x21: {  	s3 =	sadd.s32 s3, s9;
	s6 =	sadd.s32 @!p0 $0x88, s6;
	s7 =	simm.s32 @p2 $0x1082  }
0x22: {  	[simem:s7], [sflag:s8] =	dma.local @!p0 [hbm:s6], $0xF7A  }
0x23: {  	s9 =	sor.u32 $0xD0000000, s2;
	s6 =	simm.s32 $0x108;
	_ =	swait.ge @!p0 [sflag:s8], $0x0  }
0x24: {  	s3 =	sadd.s32 $0x88, s3;
	s6 =	simm.s32 @!p1 $0x1082;
	[sflag:s4] =	ssyncset.s32 $0xFFFFF086  }
0x25: {  	[simem:s6], [sflag:s4] =	dma.local [hbm:s3], $0xF7A  }
0x26: {  	[smem:$0x3F9B] =	sst s1;
	(tag) =	ssettag s2;
	_ =	strace s9  }
0x27: {  	s1 =	sld [smem:$0x3FAB]  }
0x28: {  	s2 =	sld [smem:$0x3FAC]  }
0x29: {  	s4 =	sld [smem:$0x3FAE]  }
0x2a: {  	p0 =	seq.s32 s5, $0x0;
	s5 =	sld [smem:$0x3FAF]  }
0x2b: {  	s6 =	sld [smem:$0x3FB0]  }
0x2c: {  	s7 =	sld [smem:$0x3FB1]  }
0x2d: {  	s3 =	simm.s32 $0x108;
	s8 =	sld [smem:$0x3FB2]  }
0x2e: {  	s3 =	simm.s32 @!p0 $0x1082;
	s9 =	sld [smem:$0x3FB3]  }
0x2f: {  	lr =	sadd.s32 s0, s3;
	s0 =	sld [smem:$0x3FAA]  }
0x30: {  	s3 =	sld [smem:$0x3FAD]  }
0x31: {  	[smem:$0x3FB6] =	sst s10  }
0x32: {  	s10 =	sld [smem:$0x3FB4];
	_ =	sdelay $0x3  }
0x33: {  	p0 =	seq.s32 s10, $0x1;
	s10 =	sld [smem:$0x3FB6];
	_ =	sdelay $0x3  }
0x34: {  	[smem:$0x3FB6] =	sst s10  }
0x35: {  	s10 =	sld [smem:$0x3FB5];
	_ =	sdelay $0x3  }
0x36: {  	p1 =	seq.s32 s10, $0x1;
	s10 =	sld [smem:$0x3FB6];
	_ =	sdelay $0x3  }
0x37: {  	[smem:$0x3FB6] =	sst s10  }
0x38: {  	s10 =	sld [smem:$0x3FB7]  }
0x39: {  	_ = 	snop;
	(pc) =	sbr.ind lr, $3  }
0x3a: {  	_ = 	snop  }
0x3b: {  	_ = 	snop  }
0x3c: {  	p2 =	seq.s32 s10, $0x1;
	s10 =	sld [smem:$0x3FB6]  }
0x3d: {  	_ =	shalt  }
0x3e: {  	_ =	shalt  }
0x3f: {  	_ =	shalt  }
0x40: {  	_ =	shalt  }
0x41: {  	_ =	shalt  }
0x42: {  	_ =	shalt  }
0x43: {  	_ =	shalt  }
0x44: {  	_ =	shalt  }
0x45: {  	_ =	shalt  }
0x46: {  	_ =	shalt  }
0x47: {  	_ =	shalt  }
0x48: {  	_ =	shalt  }
0x49: {  	_ =	shalt  }
0x4a: {  	_ =	shalt  }
0x4b: {  	_ =	shalt  }
0x4c: {  	_ =	shalt  }
0x4d: {  	_ =	shalt  }
0x4e: {  	_ =	shalt  }
0x4f: {  	_ =	shalt  }
0x50: {  	_ =	shalt  }
0x51: {  	_ =	shalt  }
0x52: {  	_ =	shalt  }
0x53: {  	_ =	shalt  }
0x54: {  	_ =	shalt  }
0x55: {  	_ =	shalt  }
0x56: {  	_ =	shalt  }
0x57: {  	_ =	shalt  }
0x58: {  	_ =	shalt  }
0x59: {  	_ =	shalt  }
0x5a: {  	_ =	shalt  }
0x5b: {  	_ =	shalt  }
0x5c: {  	_ =	shalt  }
0x5d: {  	_ =	shalt  }
0x5e: {  	_ =	shalt  }
0x5f: {  	_ =	shalt  }
0x60: {  	_ =	shalt  }
0x61: {  	_ =	shalt  }
0x62: {  	_ =	shalt  }
0x63: {  	_ =	shalt  }
0x64: {  	_ =	shalt  }
0x65: {  	_ =	shalt  }
0x66: {  	_ =	shalt  }
0x67: {  	_ =	shalt  }
0x68: {  	_ =	shalt  }
0x69: {  	_ =	shalt  }
0x6a: {  	_ =	shalt  }
0x6b: {  	_ =	shalt  }
0x6c: {  	_ =	shalt  }
0x6d: {  	_ =	shalt  }
0x6e: {  	_ =	shalt  }
0x6f: {  	_ =	shalt  }
0x70: {  	_ =	shalt  }
0x71: {  	_ =	shalt  }
0x72: {  	_ =	shalt  }
0x73: {  	_ =	shalt  }
0x74: {  	_ =	shalt  }
0x75: {  	_ =	shalt  }
0x76: {  	_ =	shalt  }
0x77: {  	_ =	shalt  }
0x78: {  	_ =	shalt  }
0x79: {  	_ =	shalt  }
0x7a: {  	_ =	shalt  }
0x7b: {  	_ =	shalt  }
0x7c: {  	_ =	shalt  }
0x7d: {  	_ =	shalt  }
0x7e: {  	_ =	shalt  }
0x7f: {  	_ =	shalt  }
0x80: {  	_ =	shalt  }
0x81: {  	_ =	shalt  }
0x82: {  	_ =	shalt  }
0x83: {  	_ =	shalt  }
0x84: {  	_ =	shalt  }
0x85: {  	_ =	shalt  }
0x86: {  	_ =	shalt  }
0x87: {  	_ =	shalt  }
.Lfunc_end0:
.L_simem_size_0:
called_computation_lowered:
.L_overlay_start_0:
0x88: {  	s2 =	sld [smem:$0x3FD9]  }
0x89: {  	s3 =	sld [smem:$0x3FFE];
	_ =	sdelay $0x1  }
0x8a: {  	s1 =	srdreg.scid  }
0x8b: {  	s0 =	sand.u32 $0x1, s1  }
0x8c: {  	s17 =	sshll.u32 s0, $0xA;
	s2 =	sadd.s32 s3, s2  }
0x8d: {  	s2 =	sadd.s32 s2, s17  }
0x8e: {  	[smem:$0x3FC2] =	sst s2  }
0x8f: {  	_ = 	snop  }
0x90: {  	s2 =	sld [smem:$0x3FD0];
	(tm) =	ssettm $0x1  }
0x91: {  	s18 =	sld [smem:$0x3FFB];
	_ =	sdelay $0x3  }
0x92: {  	_ =	strace s18  }
0x93: {  	s3 =	sld [smem:$0x3FFC];
	_ =	sdelay $0x3  }
0x94: {  	_ =	strace s3  }
0x95: {  	s3 =	sld [smem:$0x3FFD];
	_ =	sdelay $0x3  }
0x96: {  	_ =	strace s3  }
0x97: {  	_ =	strace $0x8FFFFFFF  }
0x98: {  	s19 =	sld [smem:$0x3FDB];
	_ =	sdelay $0x1  }
0x99: {  	s4 =	simm.s32 $_scs_section_size  }
0x9a: {  	s5 =	simm.s32 $_size__tile_overlayer_lowered;
	s6 =	simm.s32 $_tile_overlayer_lowered  }
0x9b: {  	s22 =	simm.s32 $0x1BFF;
	s21 =	sshll.u32 s6, $0x1;
	s3 =	sadd.s32 s4, s19  }
0x9c: {  	s7 =	simm.s32 $0x0;
	s20 =	sshll.u32 s5, $0x1;
	s5 =	sadd.s32 s21, s3  }
0x9d: {  	[timem:s7], [sflag:s22] =	dma.local [hbm:s5], s20  }
0x9e: {  	_ =	swait.ge [sflag:s22], s20  }
0x9f: {  	s4 =	ssub.s32 $0x0, s20;
	[sflag:s22] =	ssyncset.done $0x0  }
0xa0: {  	[sflag:s22] =	ssyncadd.s32 s4;
	_ =	sdelay $0x1  }
0xa1: {  	s23 =	simm.s32 $0x1B8B  }
0xa2: {  	_ =	swait.ge [sflag:s23], $0x1  }
0xa3: {  	[sflag:s23] =	ssyncset.done $0x0  }
0xa4: {  	s25 =	simm.s32 $0x1B8E;
	s24 =	sld [smem:$0x3FFE];
	[sflag:s23] =	ssyncadd.s32 $0xFFFFFFFF  }
0xa5: {  	s26 =	simm.s32 $execute0_lowered;
	[smem:$0x3FD2] =	sst s25  }
0xa6: {  	s5 =	sshll.u32 s26, $0x1;
	_ =	strace $0x80000046;
	[dreg:$0x1] =	wrdreg $0xFFFFFFFF  }
0xa7: {  	s28 =	simm.s32 $_size_execute0_lowered;
	s3 =	sadd.s32 s3, s5;
	[dreg:$0x0] =	wrdreg $0x0  }
0xa8: {  	s5 =	sshll.u32 s28, $0x1;
	[dreg:$0x2] =	wrdreg s3  }
0xa9: {  	[dreg:$0x3] =	wrdreg s5  }
0xaa: {  	[dreg:$0x4] =	wrdreg $0xC0  }
0xab: {  	_ =	task [dreg:s7], $0x5FFFF  }
0xac: {  	[dreg:$0x1] =	wrdreg $0xFFFFFFFF  }
0xad: {  	[dreg:$0x0] =	wrdreg $0x60  }
0xae: {  	[dreg:$0x2] =	wrdreg s2  }
0xaf: {  	[dreg:$0x3] =	wrdreg s24  }
0xb0: {  	[dreg:$0x4] =	wrdreg $0x9  }
0xb1: {  	_ =	task.clear_ibuf [dreg:s7], $0x5FFFF;
	_ =	strace $0x90000046  }
0xb2: {  	s29 =	simm.s32 $0x9;
	_ =	strace $0x80000048  }
0xb3: {  	_ =	swait.ge [sflag:s29], $0x1  }
0xb4: {  	[sflag:s29] =	ssyncadd.s32 $0xFFFFFFFF  }
0xb5: {  	_ =	strace $0x90000048  }
0xb6: {  	_ =	sfence  }
0xb7: {  	s30 =	sld [smem:$0x0];
	_ =	sdelay $0x2  }
0xb8: {  	s31 =	sshll.u32 s1, $0xD;
	s1 =	sshrl.u32 s1, $0x2  }
0xb9: {  	s3 =	sand.u32 $0x4000, s31;
	s1 =	sadd.s32 s1, s30  }
0xba: {  	s0 =	sor.u32 s3, s0;
	s1 =	sshll.u32 s1, $0x11  }
0xbb: {  	s0 =	sor.u32 s1, s0  }
0xbc: {  	s0 =	sadd.s32 $0x8F2B, s0  }
0xbd: {  	[sflag:s0] =	ssyncadd.remote.s32 $0x1  }
0xbe: {  	_ =	sfence.sel $0xFFFF  }
0xbf: {  	[dreg:$0x0] =	wrdreg $0xFFFFFFFF;
	(pc) =	sbr.abs _section_cstart, $3  }
0xc0: {  	[dreg:$0x1] =	wrdreg $0xFFFFFFFF  }
0xc1: {  	_ =	task.clear_ibuf [dreg:s7], $0x2FFFF;
	_ =	strace $0x9FFFFFFF  }
0xc2: {  	(tm) =	ssettm $0x7FFFFFFF  }
0xc3: {  	_ =	shalt  }
tec
execute0_lowered:
.L_overlay_start_1:
0x0: {  	(tag) =	ssettag $0x1  }
0x1: {  	s4 =	rddreg [dreg:$0x0]  }
0x2: {  	s5 =	rddreg [dreg:$0x1];
	s1 =	stileid.u32  }
0x3: {  	s0 =	rddreg [dreg:$0x2];
	s3 =	srdreg.scid;
	s2 =	simm.s32 $0x0  }
0x4: {  	s9 =	simm.s32 $0x1;
	s10 =	simm.s32 $0x0;
	s6 =	sshll.u32 s1, $0x1  }
0x5: {  	s7 =	sand.u32 $0x1, s3;
	s29 =	sshll.u32 s1, $0x7;
	s28 =	sand.u32 $0xE, s6  }
0x6: {  	[smem:$0x7FF] =	sst s2;
	s3 =	sand.u32 $0x400, s29;
	s8 =	sor.u32 s7, s28  }
0x7: {  	_ =	strace $0x80000047;
	s7 =	ssub.s32 $0x2, s7;
	s30 =	sshll.u32 s8, $0xC  }
0x8: {  	s31 =	sshrl.u32 s7, $0x1;
	s8 =	simm.s32 $0x4000;
	s6 =	sor.u32 s3, s30  }
0x9: {  	s7 =	ssub.s32 s7, s31;
	s5 =	sadd.s32 s6, s5;
	s4 =	sadd.s32 s4, s6  }
0xa: {  	v0 =	vimm.s32 $0x10;
	v1 =	vimm.f32 $-1.000000020e+30;
	s6 =	smax.u32 s7, $0x1;
	s7 =	simm.s32 $0x2000;
	s5 =	sadd.s32 $0x102400, s5  }
.LBB2_1:
0xb: {  	[tilespmem:s2], [sflag:$0x1] =	stream.strided.gather [hbm4b:s4+s7], $0x4000, s8, s7, $0x38;
	[tilespmem:$0x8000] =	vst v63  }
0xc: {  	s12 =	simm.s32 $0x0;
	s11 =	sand.u32 $0x7, s2;
	s15 =	simm.s32 $0x0  }
0xd: {  	_ =	swait.ge [sflag:s9], $0x4000;
	s13 =	sor.u32 s3, s12;
	p1 =	sne.s32 s11, $0x0  }
0xe: {  	s30 =	sand.u32 $0x70, s12;
	s14 =	sand.u32 $0x1C00, s15;
	[sflag:s9] =	ssyncset.done $0x0  }
0xf: {  	p0 =	seq.s32 s13, $0x0;
	s11 =	sor.u32 s30, s14;
	[sflag:s9] =	ssyncadd.s32 $0xFFFFC000  }
0x10: {  	s16 =	simm.f32 $-1.000000020e+30;
	p0 =	por !p1, !p0;
	v2 =	vld [tilespmem:s11+$0x0]  }
0x11: {  	s17 =	simm.f32 $-1.000000020e+30;
	s14 =	simm.s32 $0x1;
	p0 =	por !p0, !p0;
	v3 =	vld [tilespmem:s11+$0x80]  }
0x12: {  	s31 =	sor.u32 s12, s15;
	s13 =	sshrl.u32 s13, $0x7;
	v4 =	vld [tilespmem:s11+$0x100];
	s14 =	simm.s32 @!p0 $0x0  }
0x13: {  	s12 =	simm.f32 $-1.000000020e+30;
	s15 =	simm.f32 $-1.000000020e+30;
	v5 =	vld [tilespmem:s11+$0x180];
	s14 =	ssub.s32 s13, s14  }
0x14: {  	v6 =	vld [tilespmem:s11+$0x200];
	p0 =	seq.s32 s14, $0x0;
	p1 =	seq.s32 s14, $0x1;
	p2 =	seq.s32 s14, $0x2  }
0x15: {  	v7 =	vld [tilespmem:s11+$0x280];
	p4 =	seq.s32 s14, $0x3;
	s12 =	simm.s32 @!p0 $0x0;
	s15 =	simm.s32 @!p1 $0x0  }
0x16: {  	v8 =	vld [tilespmem:s11+$0x300];
	s16 =	simm.s32 @!p2 $0x0;
	v2 =	vadd.f32 s12, v2;
	s12 =	sor.u32 $0x380, s31;
	v3 =	vadd.f32 s15, v3;
	s15 =	simm.f32 $-1.000000020e+30  }
0x17: {  	p3 =	seq.s32 s14, $0x4;
	v4 =	vadd.f32 s16, v4;
	s16 =	simm.f32 $-1.000000020e+30;
	s15 =	simm.s32 @!p4 $0x0;
	v9 =	vld [tilespmem:s12+$0x0]  }
0x18: {  	v10 =	vld [tilespmem:s11+$0x2000];
	p0 =	seq.s32 s14, $0x5;
	s16 =	simm.s32 @!p3 $0x0;
	v5 =	vadd.f32 s15, v5;
	s15 =	simm.f32 $-1.000000020e+30;
	v11 =	vmax.f32 v2, v3  }
0x19: {  	v12 =	vld [tilespmem:s11+$0x2080];
	p1 =	seq.s32 s14, $0x6;
	v6 =	vadd.f32 s16, v6;
	s16 =	simm.f32 $-1.000000020e+30;
	s15 =	simm.s32 @!p0 $0x0;
	v11 =	vmax.f32 v11, v4  }
0x1a: {  	s18 =	simm.f32 $-1.000000020e+30;
	v13 =	vld [tilespmem:s11+$0x2100];
	p2 =	seq.s32 s14, $0x7;
	s16 =	simm.s32 @!p1 $0x0;
	v7 =	vadd.f32 s15, v7;
	v11 =	vmax.f32 v11, v5  }
0x1b: {  	v14 =	vld [tilespmem:s11+$0x2180];
	s13 =	sor.u32 $0x2380, s31;
	s17 =	simm.s32 @!p2 $0x0;
	p0 =	seq.s32 s14, $0x8;
	v8 =	vadd.f32 s16, v8;
	v11 =	vmax.f32 v11, v6  }
0x1c: {  	v15 =	vld [tilespmem:s11+$0x2200];
	s18 =	simm.s32 @!p0 $0x0;
	p0 =	seq.s32 s14, $0x9;
	s15 =	simm.f32 $-1.000000020e+30;
	v9 =	vadd.f32 s17, v9;
	v11 =	vmax.f32 v11, v7  }
0x1d: {  	v16 =	vld [tilespmem:s11+$0x2280];
	p1 =	seq.s32 s14, $0xA;
	s16 =	simm.f32 $-1.000000020e+30;
	s15 =	simm.s32 @!p0 $0x0;
	v10 =	vadd.f32 s18, v10;
	v17 =	vmax.f32 v11, v8  }
0x1e: {  	v38 =	vld [tilespmem:s11+$0x2300];
	s16 =	simm.s32 @!p1 $0x0;
	p0 =	seq.s32 s14, $0xB;
	s17 =	simm.f32 $-1.000000020e+30;
	v37 =	vadd.f32 s15, v12;
	v17 =	vmax.f32 v17, v9  }
0x1f: {  	v18 =	vld [tilespmem:s13+$0x0];
	s15 =	simm.f32 $-1.000000020e+30;
	v13 =	vadd.f32 s16, v13;
	s17 =	simm.s32 @!p0 $0x0;
	p0 =	seq.s32 s14, $0xC;
	v17 =	vmax.f32 v17, v10  }
0x20: {  	p1 =	seq.s32 s14, $0xD;
	s16 =	simm.f32 $-1.000000020e+30;
	s15 =	simm.s32 @!p0 $0x0;
	v14 =	vadd.f32 s17, v14;
	v17 =	vmax.f32 v17, v37  }
0x21: {  	s16 =	simm.s32 @!p1 $0x0;
	p0 =	seq.s32 s14, $0xE;
	s17 =	simm.f32 $-1.000000020e+30;
	v15 =	vadd.f32 s15, v15;
	v17 =	vmax.f32 v17, v13  }
0x22: {  	v16 =	vadd.f32 s16, v16;
	s17 =	simm.s32 @!p0 $0x0;
	p0 =	seq.s32 s14, $0xF;
	s14 =	simm.f32 $-1.000000020e+30;
	v17 =	vmax.f32 v17, v14  }
0x23: {  	s14 =	simm.s32 @!p0 $0x0;
	v12 =	vadd.f32 s17, v38;
	v17 =	vmax.f32 v17, v15  }
0x24: {  	v18 =	vadd.f32 s14, v18;
	v17 =	vmax.f32 v17, v16  }
0x25: {  	v17 =	vmax.f32 v17, v12  }
0x26: {  	v17 =	vmax.f32 v17, v18  }
0x27: {  	vm0 =	veq.f32 v18, v17  }
0x28: {  	vm1 =	veq.f32 v12, v17;
	v19 =	vsel vm0, $0xF, v0  }
0x29: {  	vm0 =	veq.f32 v16, v17;
	v19 =	vsel vm1, $0xE, v19  }
0x2a: {  	vm1 =	veq.f32 v15, v17;
	v19 =	vsel vm0, $0xD, v19  }
0x2b: {  	vm0 =	veq.f32 v14, v17;
	v19 =	vsel vm1, $0xC, v19  }
0x2c: {  	v19 =	vsel vm0, $0xB, v19;
	vm0 =	veq.f32 v13, v17  }
0x2d: {  	vm1 =	veq.f32 v37, v17;
	v19 =	vsel vm0, $0xA, v19  }
0x2e: {  	vm0 =	veq.f32 v10, v17;
	v19 =	vsel vm1, $0x9, v19  }
0x2f: {  	vm1 =	veq.f32 v9, v17;
	v19 =	vsel vm0, $0x8, v19  }
0x30: {  	vm0 =	veq.f32 v8, v17;
	v19 =	vsel vm1, $0x7, v19  }
0x31: {  	vm1 =	veq.f32 v7, v17;
	v19 =	vsel vm0, $0x6, v19  }
0x32: {  	vm0 =	veq.f32 v6, v17;
	v19 =	vsel vm1, $0x5, v19  }
0x33: {  	vm1 =	veq.f32 v5, v17;
	v19 =	vsel vm0, $0x4, v19  }
0x34: {  	vm0 =	veq.f32 v4, v17;
	v19 =	vsel vm1, $0x3, v19  }
0x35: {  	vm1 =	veq.f32 v3, v17;
	v19 =	vsel vm0, $0x2, v19  }
0x36: {  	v41 =	vimm.s32 $0x0;
	vm0 =	veq.f32 v2, v17;
	v39 =	vsel vm1, $0x1, v19  }
0x37: {  	v44 =	vimm.s32 $0x0;
	v47 =	vimm.s32 $0x0;
	v17 =	vsel vm0, $0x0, v39  }
0x38: {  	v40 =	vmax.f32 v2, $-1.000000020e+30;
	vm5 =	veq.s32 v17, $0x0;
	vm4 =	veq.s32 v17, $0x1  }
0x39: {  	vm0 =	veq.s32 v17, $0x2;
	vm1 =	veq.s32 v17, $0x3;
	vm10 =	veq.s32 v17, $0x5  }
0x3a: {  	vm12 =	veq.s32 v17, $0x7;
	v19 =	vsel vm5, $0xF149F2CA, v40;
	v20 =	vsel vm4, $0xF149F2CA, v3  }
0x3b: {  	v42 =	vsel vm0, $0xF149F2CA, v4;
	v43 =	vsel vm1, $0xF149F2CA, v5;
	v19 =	vmax.f32 v19, v20  }
0x3c: {  	v20 =	vsel vm0, $0xFFFFFFFF, v41;
	vm0 =	veq.s32 v17, $0x4;
	v19 =	vmax.f32 v19, v42  }
0x3d: {  	v46 =	vsel vm10, $0xF149F2CA, v7;
	v45 =	vsel vm0, $0xF149F2CA, v6;
	v19 =	vmax.f32 v19, v43  }
0x3e: {  	[tilespmem:$0x1FFB0] =	vst v20;
	v20 =	vsel vm0, $0xFFFFFFFF, v44;
	vm0 =	veq.s32 v17, $0x6;
	v19 =	vmax.f32 v19, v45  }
0x3f: {  	vm9 =	veq.s32 v17, $0x8;
	v48 =	vsel vm0, $0xF149F2CA, v8;
	v19 =	vmax.f32 v19, v46  }
0x40: {  	vm13 =	veq.s32 v17, $0x9;
	v49 =	vsel vm12, $0xF149F2CA, v9;
	v19 =	vmax.f32 v19, v48  }
0x41: {  	vm15 =	veq.s32 v17, $0xA;
	v50 =	vsel vm9, $0xF149F2CA, v10;
	v19 =	vmax.f32 v19, v49  }
0x42: {  	v51 =	vsel vm13, $0xF149F2CA, v37;
	v52 =	vsel vm15, $0xF149F2CA, v13;
	v19 =	vmax.f32 v19, v50  }
0x43: {  	[tilespmem:$0x1FFD0] =	vst v20;
	v20 =	vsel vm0, $0xFFFFFFFF, v47;
	vm0 =	veq.s32 v17, $0xB;
	v19 =	vmax.f32 v19, v51  }
0x44: {  	vm11 =	veq.s32 v17, $0xC;
	v54 =	vsel vm0, $0xF149F2CA, v14;
	v19 =	vmax.f32 v19, v52  }
0x45: {  	vm8 =	veq.s32 v17, $0xD;
	v55 =	vsel vm11, $0xF149F2CA, v15;
	v19 =	vmax.f32 v19, v54  }
0x46: {  	vm7 =	veq.s32 v17, $0xE;
	v56 =	vsel vm8, $0xF149F2CA, v16;
	v19 =	vmax.f32 v19, v55  }
0x47: {  	vm6 =	veq.s32 v17, $0xF;
	v57 =	vsel vm7, $0xF149F2CA, v12;
	v19 =	vmax.f32 v19, v56  }
0x48: {  	v21 =	vimm.s32 $0x0;
	v58 =	vsel vm6, $0xF149F2CA, v18;
	v19 =	vmax.f32 v19, v57  }
0x49: {  	v53 =	vimm.s32 $0x0;
	v21 =	vsel vm1, $0xFFFFFFFF, v21;
	v19 =	vmax.f32 v19, v58  }
0x4a: {  	[tilespmem:$0x1FFC0] =	vst v21;
	v21 =	vsel vm0, $0xFFFFFFFF, v53;
	vm0 =	vne.s32 v17, $0xF;
	vm1 =	veq.f32 v18, v19  }
0x4b: {  	vm2 =	veq.f32 v12, v19;
	vm0 =	vmand vm0, vm1;
	vm1 =	vne.s32 v17, $0xE  }
0x4c: {  	v59 =	vsel vm0, $0xF, v0;
	vm0 =	vmand vm1, vm2  }
0x4d: {  	vm1 =	veq.f32 v16, v19;
	v12 =	vsel vm0, $0xE, v59;
	vm0 =	vne.s32 v17, $0xD  }
0x4e: {  	vm2 =	veq.f32 v15, v19;
	vm0 =	vmand vm0, vm1;
	vm1 =	vne.s32 v17, $0xC  }
0x4f: {  	v12 =	vsel vm0, $0xD, v12;
	vm0 =	vmand vm1, vm2  }
0x50: {  	vm1 =	veq.f32 v14, v19;
	v12 =	vsel vm0, $0xC, v12;
	vm0 =	vne.s32 v17, $0xB  }
0x51: {  	vm2 =	veq.f32 v13, v19;
	vm0 =	vmand vm0, vm1;
	vm1 =	vne.s32 v17, $0xA  }
0x52: {  	v12 =	vsel vm0, $0xB, v12;
	vm0 =	vmand vm1, vm2  }
0x53: {  	vm1 =	veq.f32 v37, v19;
	v12 =	vsel vm0, $0xA, v12;
	vm0 =	vne.s32 v17, $0x9  }
0x54: {  	vm2 =	veq.f32 v10, v19;
	vm0 =	vmand vm0, vm1;
	vm1 =	vne.s32 v17, $0x8  }
0x55: {  	v60 =	vsel vm0, $0x9, v12;
	vm0 =	vmand vm1, vm2  }
0x56: {  	vm1 =	veq.f32 v9, v19;
	v10 =	vsel vm0, $0x8, v60;
	vm0 =	vne.s32 v17, $0x7  }
0x57: {  	vm2 =	veq.f32 v8, v19;
	vm0 =	vmand vm0, vm1;
	vm1 =	vne.s32 v17, $0x6  }
0x58: {  	v61 =	vsel vm0, $0x7, v10;
	vm0 =	vmand vm1, vm2  }
0x59: {  	vm1 =	veq.f32 v7, v19;
	v8 =	vsel vm0, $0x6, v61;
	vm0 =	vne.s32 v17, $0x5  }
0x5a: {  	vm2 =	veq.f32 v6, v19;
	vm0 =	vmand vm0, vm1;
	vm1 =	vne.s32 v17, $0x4  }
0x5b: {  	v62 =	vsel vm0, $0x5, v8;
	vm0 =	vmand vm1, vm2  }
0x5c: {  	vm1 =	veq.f32 v5, v19;
	v6 =	vsel vm0, $0x4, v62;
	vm0 =	vne.s32 v17, $0x3  }
0x5d: {  	vm2 =	vne.s32 v17, $0x2;
	vm0 =	vmand vm0, vm1;
	vm1 =	veq.f32 v4, v19  }
0x5e: {  	v63 =	vsel vm0, $0x3, v6;
	vm0 =	vmand vm2, vm1  }
0x5f: {  	vm1 =	vne.s32 v17, $0x1;
	v4 =	vsel vm0, $0x2, v63;
	vm0 =	veq.f32 v3, v19  }
0x60: {  	vm2 =	vne.s32 v17, $0x0;
	vm0 =	vmand vm1, vm0;
	vm1 =	veq.f32 v2, v19  }
0x61: {  	v2 =	vsel vm0, $0x1, v4;
	vm0 =	vmand vm2, vm1  }
0x62: {  	[tilespmem:$0x1FFE0] =	vst v20;
	v2 =	vsel vm0, $0x0, v2  }
0x63: {  	s14 =	simm.s32 $0x1;
	[tilespmem:$0x1FFF0] =	vst v21;
	vm0 =	veq.s32 v2, $0x0;
	vm2 =	veq.s32 v2, $0x1;
	vm1 =	veq.s32 v2, $0x2  }
.LBB2_2:
0x64: {  	v3 =	vld [tilespmem:$0x1FFB0];
	_ =	sdelay $0x3  }
0x65: {  	v39 =	vld [tilespmem:$0x1FFD0]  }
0x66: {  	vm0 =	vmor vm5, vm0;
	vm5 =	vnez.u8 v3;
	v3 =	vld [tilespmem:$0x1FFC0];
	_ =	sdelay $0x1  }
0x67: {  	vm2 =	vmor vm4, vm2;
	vm3 =	veq.s32 v2, $0x3;
	vm4 =	veq.s32 v2, $0x4;
	v40 =	vld [tilespmem:$0x1FFE0]  }
0x68: {  	v6 =	vsel vm0, $0x0, v1;
	vm0 =	veq.s32 v2, $0x7;
	vm1 =	vmor vm5, vm1  }
0x69: {  	vm0 =	vmor vm12, vm0;
	v4 =	vsel vm1, $0x0, v1;
	vm1 =	vnez.u8 v39  }
0x6a: {  	[tilespmem:s11+$0x4000] =	vst v6;
	vm1 =	vmor vm1, vm4;
	vm4 =	veq.s32 v2, $0xB;
	vm5 =	vnez.u8 v3  }
0x6b: {  	v43 =	vld [tilespmem:$0x1FFF0];
	[tilespmem:s11+$0x4100] =	vst v4;
	v3 =	vsel vm2, $0x0, v1;
	vm2 =	veq.s32 v2, $0x5;
	vm3 =	vmor vm5, vm3  }
0x6c: {  	[tilespmem:s11+$0x4080] =	vst v3;
	v3 =	vsel vm1, $0x0, v1;
	vm1 =	vmor vm10, vm2;
	vm2 =	vnez.u8 v40  }
0x6d: {  	vm5 =	veq.s32 v2, $0xE;
	v5 =	vsel vm3, $0x0, v1;
	vm3 =	veq.s32 v2, $0x6;
	[tilespmem:s11+$0x4200] =	vst v3  }
0x6e: {  	v3 =	vsel vm1, $0x0, v1;
	vm1 =	veq.s32 v2, $0x8;
	[tilespmem:s11+$0x4180] =	vst v5;
	vm2 =	vmor vm2, vm3  }
0x6f: {  	vm1 =	vmor vm9, vm1;
	vm3 =	veq.s32 v2, $0xA;
	[tilespmem:s11+$0x4280] =	vst v3;
	v41 =	vsel vm2, $0x0, v1  }
0x70: {  	v3 =	vsel vm0, $0x0, v1;
	vm0 =	vnez.u8 v43;
	vm2 =	veq.s32 v2, $0x9;
	[tilespmem:s11+$0x4300] =	vst v41  }
0x71: {  	vm3 =	vmor vm15, vm3;
	v42 =	vsel vm1, $0x0, v1;
	vm2 =	vmor vm13, vm2;
	[tilespmem:s12+$0x4000] =	vst v3  }
0x72: {  	vm0 =	vmor vm0, vm4;
	vm1 =	veq.s32 v2, $0xC;
	v3 =	vsel vm2, $0x0, v1;
	[tilespmem:s11+$0x6000] =	vst v42  }
0x73: {  	vm4 =	veq.s32 v2, $0xD;
	vm1 =	vmor vm11, vm1;
	[tilespmem:s11+$0x6080] =	vst v3;
	v3 =	vsel vm3, $0x0, v1  }
0x74: {  	vm3 =	vmor vm8, vm4;
	vm4 =	veq.s32 v2, $0xF;
	v2 =	vsel vm0, $0x0, v1;
	[tilespmem:s11+$0x6100] =	vst v3  }
0x75: {  	s15 =	smov.u32 s14;
	[tilespmem:s11+$0x6180] =	vst v2;
	v2 =	vsel vm1, $0x0, v1  }
0x76: {  	s28 =	sshll.u32 s15, $0x4;
	s16 =	sand.u32 $0x7, s15;
	vm2 =	vmor vm7, vm5;
	v3 =	vsel vm3, $0x0, v1;
	[tilespmem:s11+$0x6200] =	vst v2  }
0x77: {  	s17 =	sshll.u32 s15, $0x7;
	s18 =	sor.u32 s3, s28;
	s29 =	sand.u32 $0x70, s28;
	vm0 =	vmor vm6, vm4;
	v2 =	vsel vm2, $0x0, v1;
	[tilespmem:s11+$0x6280] =	vst v3  }
0x78: {  	p2 =	sne.s32 s16, $0x0;
	s30 =	sand.u32 $0x1C00, s17;
	p1 =	seq.s32 s18, $0x0;
	[tilespmem:s11+$0x6300] =	vst v2;
	v2 =	vsel vm0, $0x0, v1  }
0x79: {  	s19 =	simm.f32 $-1.000000020e+30;
	p1 =	por !p2, !p1;
	s11 =	sor.u32 s29, s30;
	[tilespmem:s13+$0x4000] =	vst v2  }
0x7a: {  	s20 =	simm.f32 $-1.000000020e+30;
	p1 =	por !p1, !p1;
	s13 =	simm.s32 $0x1;
	v3 =	vld [tilespmem:s11+$0x80]  }
0x7b: {  	s15 =	sor.u32 s28, s17;
	s31 =	sshrl.u32 s18, $0x7;
	v4 =	vld [tilespmem:s11+$0x100];
	s13 =	simm.s32 @!p1 $0x0  }
0x7c: {  	s16 =	simm.f32 $-1.000000020e+30;
	s17 =	simm.f32 $-1.000000020e+30;
	v44 =	vld [tilespmem:s11+$0x180];
	s13 =	ssub.s32 s31, s13  }
0x7d: {  	s18 =	simm.f32 $-1.000000020e+30;
	s12 =	simm.f32 $-1.000000020e+30;
	v2 =	vld [tilespmem:s11+$0x0];
	p2 =	seq.s32 s13, $0x1  }
0x7e: {  	v6 =	vld [tilespmem:s11+$0x200];
	p1 =	seq.s32 s13, $0x0;
	p5 =	seq.s32 s13, $0x2;
	s16 =	simm.s32 @!p2 $0x0  }
0x7f: {  	p4 =	seq.s32 s13, $0x3;
	p3 =	seq.s32 s13, $0x4;
	v3 =	vadd.f32 s16, v3;
	s16 =	simm.f32 $-1.000000020e+30  }
0x80: {  	v7 =	vld [tilespmem:s11+$0x280];
	s12 =	simm.s32 @!p1 $0x0;
	p2 =	seq.s32 s13, $0x5;
	s16 =	simm.s32 @!p4 $0x0  }
0x81: {  	p1 =	seq.s32 s13, $0x6;
	s17 =	simm.s32 @!p5 $0x0;
	v5 =	vadd.f32 s16, v44;
	s16 =	simm.f32 $-1.000000020e+30  }
0x82: {  	v9 =	vld [tilespmem:s11+$0x300];
	p5 =	seq.s32 s13, $0x7;
	v2 =	vadd.f32 s12, v2;
	s12 =	sor.u32 $0x380, s15;
	s16 =	simm.s32 @!p3 $0x0  }
0x83: {  	v4 =	vadd.f32 s17, v4;
	s17 =	simm.f32 $-1.000000020e+30;
	v10 =	vld [tilespmem:s12+$0x0];
	p4 =	seq.s32 s13, $0x8;
	v8 =	vadd.f32 s16, v6;
	s16 =	simm.f32 $-1.000000020e+30  }
0x84: {  	v11 =	vld [tilespmem:s11+$0x2000];
	s17 =	simm.s32 @!p5 $0x0;
	s18 =	simm.s32 @!p4 $0x0;
	v13 =	vmax.f32 v2, v3;
	s16 =	simm.s32 @!p2 $0x0  }
0x85: {  	v12 =	vld [tilespmem:s11+$0x2080];
	p3 =	seq.s32 s13, $0x9;
	v45 =	vmax.f32 v13, v4;
	p2 =	seq.s32 s13, $0xA;
	v6 =	vadd.f32 s16, v7;
	s16 =	simm.f32 $-1.000000020e+30  }
0x86: {  	v14 =	vld [tilespmem:s11+$0x2100];
	s19 =	simm.s32 @!p3 $0x0;
	v15 =	vmax.f32 v45, v5;
	s20 =	simm.s32 @!p2 $0x0;
	s16 =	simm.s32 @!p1 $0x0  }
0x87: {  	v46 =	vld [tilespmem:s11+$0x2180];
	p2 =	seq.s32 s13, $0xD;
	v15 =	vmax.f32 v15, v8;
	p1 =	seq.s32 s13, $0xB;
	v9 =	vadd.f32 s16, v9;
	s16 =	simm.f32 $-1.000000020e+30  }
0x88: {  	v16 =	vld [tilespmem:s11+$0x2200];
	v7 =	vadd.f32 s17, v10;
	s17 =	simm.f32 $-1.000000020e+30;
	v47 =	vmax.f32 v15, v6;
	s16 =	simm.s32 @!p1 $0x0;
	p1 =	seq.s32 s13, $0xC  }
0x89: {  	v17 =	vld [tilespmem:s11+$0x2280];
	v10 =	vadd.f32 s18, v11;
	s18 =	simm.f32 $-1.000000020e+30;
	s17 =	simm.s32 @!p1 $0x0;
	p1 =	seq.s32 s13, $0xE;
	v18 =	vmax.f32 v47, v9  }
0x8a: {  	v48 =	vld [tilespmem:s11+$0x2300];
	v12 =	vadd.f32 s19, v12;
	s18 =	simm.s32 @!p1 $0x0;
	p1 =	seq.s32 s13, $0xF;
	s13 =	sor.u32 $0x2380, s15;
	v18 =	vmax.f32 v18, v7  }
0x8b: {  	v11 =	vadd.f32 s20, v14;
	v19 =	vld [tilespmem:s13+$0x0];
	v18 =	vmax.f32 v18, v10  }
0x8c: {  	s21 =	simm.f32 $-1.000000020e+30;
	v49 =	vadd.f32 s16, v46;
	v18 =	vmax.f32 v18, v12  }
0x8d: {  	s21 =	simm.s32 @!p2 $0x0;
	v50 =	vadd.f32 s17, v16;
	v52 =	vmax.f32 v18, v11  }
0x8e: {  	s19 =	simm.f32 $-1.000000020e+30;
	v51 =	vadd.f32 s21, v17;
	v17 =	vmax.f32 v52, v49  }
0x8f: {  	s19 =	simm.s32 @!p1 $0x0;
	v15 =	vadd.f32 s18, v48;
	v17 =	vmax.f32 v17, v50  }
0x90: {  	v53 =	vadd.f32 s19, v19;
	v17 =	vmax.f32 v17, v51  }
0x91: {  	v17 =	vmax.f32 v17, v15  }
0x92: {  	v17 =	vmax.f32 v17, v53  }
0x93: {  	vm0 =	veq.f32 v53, v17  }
0x94: {  	v20 =	vimm.s32 $0x0;
	vm1 =	veq.f32 v15, v17;
	v54 =	vsel vm0, $0xF, v0  }
0x95: {  	v57 =	vimm.s32 $0x0;
	vm2 =	veq.f32 v51, v17;
	v19 =	vsel vm1, $0xE, v54  }
0x96: {  	v58 =	vimm.s32 $0x0;
	vm3 =	veq.f32 v50, v17;
	v19 =	vsel vm2, $0xD, v19  }
0x97: {  	vm4 =	veq.f32 v12, v17;
	vm1 =	veq.f32 v49, v17;
	v19 =	vsel vm3, $0xC, v19  }
0x98: {  	vm5 =	veq.f32 v7, v17;
	v19 =	vsel vm1, $0xB, v19;
	vm1 =	veq.f32 v11, v17  }
0x99: {  	vm6 =	veq.f32 v6, v17;
	vm7 =	veq.f32 v8, v17;
	v19 =	vsel vm1, $0xA, v19  }
0x9a: {  	vm8 =	veq.f32 v3, v17;
	vm2 =	veq.f32 v10, v17;
	v19 =	vsel vm4, $0x9, v19  }
0x9b: {  	vm0 =	veq.f32 v5, v17;
	vm3 =	veq.f32 v9, v17;
	v55 =	vsel vm2, $0x8, v19  }
0x9c: {  	vm1 =	veq.f32 v4, v17;
	vm4 =	veq.f32 v2, v17;
	v17 =	vsel vm5, $0x7, v55  }
0x9d: {  	v60 =	vimm.s32 $0x0;
	v22 =	vimm.s32 $0x0;
	v17 =	vsel vm3, $0x6, v17  }
0x9e: {  	v62 =	vimm.s32 $0x0;
	v23 =	vimm.s32 $0x0;
	v17 =	vsel vm6, $0x5, v17  }
0x9f: {  	v28 =	vimm.s32 $0x0;
	v30 =	vimm.s32 $0x0;
	v17 =	vsel vm7, $0x4, v17  }
0xa0: {  	v25 =	vimm.s32 $0x0;
	v36 =	vimm.s32 $0x0;
	v17 =	vsel vm0, $0x3, v17  }
0xa1: {  	v43 =	vimm.s32 $0x0;
	v41 =	vimm.s32 $0x0;
	v17 =	vsel vm1, $0x2, v17  }
0xa2: {  	v42 =	vimm.s32 $0x0;
	v56 =	vmax.f32 v2, $-1.000000020e+30;
	v17 =	vsel vm8, $0x1, v17  }
0xa3: {  	v44 =	vimm.s32 $0x0;
	v45 =	vimm.s32 $0x0;
	v17 =	vsel vm4, $0x0, v17  }
0xa4: {  	v46 =	vimm.s32 $0x0;
	v47 =	vimm.s32 $0x0;
	vm1 =	veq.s32 v17, $0x0  }
0xa5: {  	vm0 =	veq.s32 v17, $0x1;
	vm3 =	veq.s32 v17, $0x5;
	vm2 =	veq.s32 v17, $0x3  }
0xa6: {  	vm7 =	veq.s32 v17, $0x7;
	vm5 =	veq.s32 v17, $0x9;
	vm4 =	veq.s32 v17, $0xC  }
0xa7: {  	vm8 =	veq.s32 v17, $0xD;
	vm9 =	vne.s32 v17, $0xA;
	vm6 =	vne.s32 v17, $0x9  }
0xa8: {  	vm10 =	vne.s32 v17, $0xC;
	vm11 =	vne.s32 v17, $0xB;
	vm12 =	vne.s32 v17, $0xF  }
0xa9: {  	vm13 =	vne.s32 v17, $0xD;
	v20 =	vsel vm1, $0xFFFFFFFF, v20;
	v19 =	vsel vm1, $0xF149F2CA, v56  }
0xaa: {  	v59 =	vsel vm0, $0xF149F2CA, v3;
	vm1 =	veq.s32 v17, $0x2;
	v21 =	vsel vm3, $0xF149F2CA, v6  }
0xab: {  	v29 =	vsel vm2, $0xF149F2CA, v5;
	v32 =	vsel vm7, $0xF149F2CA, v7;
	v34 =	vsel vm5, $0xF149F2CA, v12  }
0xac: {  	v38 =	vsel vm4, $0xF149F2CA, v50;
	v39 =	vsel vm8, $0xF149F2CA, v51;
	[tilespmem:$0x1FF10] =	vst v20;
	v20 =	vsel vm0, $0xFFFFFFFF, v57  }
0xad: {  	vm0 =	veq.s32 v17, $0x4;
	v19 =	vmax.f32 v19, v59;
	v63 =	vsel vm1, $0xF149F2CA, v4  }
0xae: {  	[tilespmem:$0x1FFA0] =	vst v20;
	v20 =	vsel vm3, $0xFFFFFFFF, v58;
	v61 =	vsel vm0, $0xF149F2CA, v8;
	vm3 =	veq.s32 v17, $0x8  }
0xaf: {  	v19 =	vmax.f32 v19, v63;
	[tilespmem:$0x1FF30] =	vst v20;
	v20 =	vsel vm0, $0xFFFFFFFF, v60;
	v22 =	vsel vm3, $0xFFFFFFFF, v22  }
0xb0: {  	vm0 =	veq.s32 v17, $0x6;
	v24 =	vsel vm3, $0xF149F2CA, v10;
	v19 =	vmax.f32 v19, v29  }
0xb1: {  	vm3 =	veq.s32 v17, $0xA;
	[tilespmem:$0x1FEF0] =	vst v22;
	v22 =	vsel vm1, $0xFFFFFFFF, v62;
	vm1 =	veq.s32 v17, $0xE  }
0xb2: {  	v31 =	vsel vm0, $0xF149F2CA, v9;
	v19 =	vmax.f32 v19, v61;
	v35 =	vsel vm3, $0xF149F2CA, v11  }
0xb3: {  	[tilespmem:$0x1FFB0] =	vst v22;
	v23 =	vsel vm1, $0xFFFFFFFF, v23;
	v22 =	vsel vm0, $0xFFFFFFFF, v30;
	v19 =	vmax.f32 v19, v21  }
0xb4: {  	vm0 =	veq.s32 v17, $0xF;
	v40 =	vsel vm1, $0xF149F2CA, v15;
	v19 =	vmax.f32 v19, v31  }
0xb5: {  	[tilespmem:$0x1FF80] =	vst v23;
	v23 =	vsel vm2, $0xFFFFFFFF, v28;
	v25 =	vsel vm0, $0xFFFFFFFF, v25;
	v19 =	vmax.f32 v19, v32  }
0xb6: {  	v33 =	vsel vm0, $0xF149F2CA, v53;
	vm0 =	veq.s32 v17, $0xB;
	v19 =	vmax.f32 v19, v24  }
0xb7: {  	vm2 =	vne.s32 v17, $0xE;
	[tilespmem:$0x1FF50] =	vst v25;
	v25 =	vsel vm0, $0xFFFFFFFF, v36;
	v19 =	vmax.f32 v19, v34  }
0xb8: {  	v37 =	vsel vm0, $0xF149F2CA, v49;
	vm0 =	vne.s32 v17, $0x4;
	v19 =	vmax.f32 v19, v35  }
0xb9: {  	[tilespmem:$0x1FFE0] =	vst v22;
	v22 =	vsel vm0, $0xFFFFFFFF, v41;
	vm0 =	vne.s32 v17, $0x3;
	v19 =	vmax.f32 v19, v37  }
0xba: {  	[tilespmem:$0x1FF60] =	vst v22;
	v22 =	vsel vm0, $0xFFFFFFFF, v42;
	vm0 =	vne.s32 v17, $0x6;
	v19 =	vmax.f32 v19, v38  }
0xbb: {  	[tilespmem:$0x1FF90] =	vst v22;
	v22 =	vsel vm0, $0xFFFFFFFF, v43;
	vm0 =	vne.s32 v17, $0x5;
	v19 =	vmax.f32 v19, v39  }
0xbc: {  	[tilespmem:$0x1FF20] =	vst v22;
	v22 =	vsel vm0, $0xFFFFFFFF, v44;
	vm0 =	vne.s32 v17, $0x8;
	v19 =	vmax.f32 v19, v40  }
0xbd: {  	[tilespmem:$0x1FF40] =	vst v22;
	v22 =	vsel vm0, $0xFFFFFFFF, v45;
	vm0 =	vne.s32 v17, $0x7;
	v19 =	vmax.f32 v19, v33  }
0xbe: {  	[tilespmem:$0x1FEE0] =	vst v22;
	v22 =	vsel vm0, $0xFFFFFFFF, v46;
	vm14 =	veq.f32 v53, v19;
	vm15 =	veq.f32 v51, v19  }
0xbf: {  	vm0 =	veq.f32 v8, v19;
	vm12 =	vmand vm12, vm14;
	vm14 =	veq.f32 v15, v19  }
0xc0: {  	v8 =	vsel vm0, $0xFFFFFFFF, v47;
	v48 =	vsel vm12, $0xF, v0;
	vm2 =	vmand vm2, vm14  }
0xc1: {  	[tilespmem:$0x1FF70] =	vst v8;
	v8 =	vsel vm2, $0xE, v48;
	vm2 =	vmand vm13, vm15;
	vm13 =	veq.f32 v50, v19;
	v50 =	vld [tilespmem:$0x1FEE0]  }
0xc2: {  	[tilespmem:$0x1FF00] =	vst v22;
	vm12 =	veq.f32 v49, v19;
	v8 =	vsel vm2, $0xD, v8;
	vm2 =	vmand vm10, vm13  }
0xc3: {  	v53 =	vld [tilespmem:$0x1FF00];
	v8 =	vsel vm2, $0xC, v8;
	vm2 =	vmand vm11, vm12;
	vm11 =	veq.f32 v11, v19  }
0xc4: {  	vm1 =	veq.f32 v12, v19;
	v8 =	vsel vm2, $0xB, v8;
	vm2 =	vmand vm9, vm11  }
0xc5: {  	v56 =	vld [tilespmem:$0x1FF20];
	vm0 =	vmand vm6, vm1;
	v8 =	vsel vm2, $0xA, v8  }
0xc6: {  	vm9 =	veq.f32 v10, v19;
	v49 =	vsel vm0, $0x9, v8;
	vm0 =	vnez.u8 v50  }
0xc7: {  	v59 =	vld [tilespmem:$0x1FF40];
	vm0 =	vmand vm0, vm9  }
0xc8: {  	v61 =	vld [tilespmem:$0x1FF60];
	vm2 =	veq.f32 v7, v19;
	v52 =	vsel vm0, $0x8, v49;
	vm0 =	vnez.u8 v53  }
0xc9: {  	v62 =	vld [tilespmem:$0x1FF70];
	vm0 =	vmand vm0, vm2  }
0xca: {  	vm10 =	veq.f32 v9, v19;
	v55 =	vsel vm0, $0x7, v52;
	vm0 =	vnez.u8 v56  }
0xcb: {  	vm0 =	vmand vm0, vm10  }
0xcc: {  	vm6 =	veq.f32 v6, v19;
	v58 =	vsel vm0, $0x6, v55;
	vm0 =	vnez.u8 v59  }
0xcd: {  	vm15 =	vmmov vm3;
	vm3 =	veq.f32 v3, v19;
	vm0 =	vmand vm0, vm6  }
0xce: {  	v54 =	vld [tilespmem:$0x1FF10];
	vm1 =	vnez.u8 v62;
	v3 =	vsel vm0, $0x5, v58;
	vm0 =	vnez.u8 v61  }
0xcf: {  	v63 =	vld [tilespmem:$0x1FF80];
	vm0 =	vmand vm0, vm1  }
0xd0: {  	vm1 =	veq.f32 v2, v19;
	v2 =	vsel vm0, $0x4, v3;
	v3 =	vld [tilespmem:$0x1FF90]  }
0xd1: {  	v51 =	vld [tilespmem:$0x1FEF0];
	_ =	sdelay $0x1  }
0xd2: {  	v57 =	vld [tilespmem:$0x1FF30];
	vm13 =	vmmov vm5;
	vm5 =	vnez.u8 v54  }
0xd3: {  	v60 =	vld [tilespmem:$0x1FF50];
	vm12 =	vmmov vm7;
	vm7 =	vnez.u8 v63;
	vm11 =	vmmov vm4  }
0xd4: {  	vm4 =	veq.f32 v4, v19;
	vm2 =	veq.f32 v5, v19;
	vm0 =	vnez.u8 v3;
	v3 =	vld [tilespmem:$0x1FFA0]  }
0xd5: {  	p0 =	sne.s32 s14, $0x3F;
	vm9 =	vnez.u8 v51;
	vm0 =	vmand vm0, vm2;
	vm2 =	vne.s32 v17, $0x2  }
.Ltmp0:
0xd6: {  	v2 =	vsel vm0, $0x3, v2;
	vm0 =	vmand vm2, vm4;
	vm2 =	vne.s32 v17, $0x1;
	(pc) =	sbr.rel @p0 .LBB2_2-.Ltmp0, $4  }
0xd7: {  	v2 =	vsel vm0, $0x2, v2;
	vm0 =	vmand vm2, vm3;
	vm2 =	vne.s32 v17, $0x0  }
0xd8: {  	[tilespmem:$0x1FFD0] =	vst v20;
	vm10 =	vnez.u8 v57;
	v2 =	vsel vm0, $0x1, v2;
	vm0 =	vmand vm2, vm1  }
0xd9: {  	[tilespmem:$0x1FFC0] =	vst v23;
	vm6 =	vnez.u8 v60;
	vm4 =	vnez.u8 v3;
	v2 =	vsel vm0, $0x0, v2  }
0xda: {  	s14 =	sadd.s32 $0x1, s14;
	[tilespmem:$0x1FFF0] =	vst v25;
	vm0 =	veq.s32 v2, $0x0;
	vm2 =	veq.s32 v2, $0x1;
	vm1 =	veq.s32 v2, $0x2  }
0xdb: {  	v3 =	vld [tilespmem:$0x1FFC0];
	_ =	sdelay $0x4  }
0xdc: {  	vm3 =	veq.s32 v2, $0x3;
	vm14 =	vnez.u8 v3  }
0xdd: {  	vm3 =	vmor vm14, vm3  }
0xde: {  	v5 =	vld [tilespmem:$0x1FFD0];
	v3 =	vsel vm3, $0x0, v1  }
0xdf: {  	[tilespmem:s11+$0x4180] =	vst v3;
	v3 =	vld [tilespmem:$0x1FFB0]  }
0xe0: {  	v58 =	vld [tilespmem:$0x1FFE0];
	_ =	sdelay $0x1  }
0xe1: {  	vm2 =	vmor vm4, vm2  }
0xe2: {  	v4 =	vsel vm2, $0x0, v1;
	vm4 =	vnez.u8 v5;
	vm14 =	veq.s32 v2, $0x4  }
0xe3: {  	vm2 =	vmor vm4, vm14;
	vm4 =	veq.s32 v2, $0x6;
	vm14 =	vnez.u8 v3  }
0xe4: {  	[tilespmem:s11+$0x4080] =	vst v4;
	v3 =	vsel vm2, $0x0, v1;
	vm1 =	vmor vm14, vm1;
	vm14 =	vnez.u8 v58  }
0xe5: {  	[tilespmem:s11+$0x4200] =	vst v3;
	v57 =	vsel vm1, $0x0, v1;
	vm1 =	vmor vm14, vm4;
	vm4 =	veq.s32 v2, $0x5  }
0xe6: {  	vm2 =	vmor vm10, vm4;
	v3 =	vsel vm1, $0x0, v1;
	[tilespmem:s11+$0x4100] =	vst v57  }
0xe7: {  	vm0 =	vmor vm5, vm0;
	vm10 =	veq.s32 v2, $0x7;
	v59 =	vsel vm2, $0x0, v1;
	[tilespmem:s11+$0x4300] =	vst v3  }
0xe8: {  	vm14 =	veq.s32 v2, $0x8;
	v3 =	vsel vm0, $0x0, v1;
	vm12 =	vmor vm12, vm10;
	[tilespmem:s11+$0x4280] =	vst v59  }
0xe9: {  	vm1 =	vmor vm9, vm14;
	v60 =	vsel vm12, $0x0, v1;
	[tilespmem:s11+$0x4000] =	vst v3  }
0xea: {  	v3 =	vsel vm1, $0x0, v1;
	[tilespmem:s12+$0x4000] =	vst v60  }
0xeb: {  	[tilespmem:s11+$0x6000] =	vst v3;
	v3 =	vld [tilespmem:$0x1FFF0];
	_ =	sdelay $0x1  }
0xec: {  	vm4 =	veq.s32 v2, $0x9  }
0xed: {  	vm5 =	veq.s32 v2, $0xA;
	vm9 =	veq.s32 v2, $0xB;
	vm0 =	vmor vm13, vm4  }
0xee: {  	vm1 =	vmor vm15, vm5;
	v61 =	vsel vm0, $0x0, v1;
	vm12 =	veq.s32 v2, $0xC  }
0xef: {  	[tilespmem:s11+$0x6080] =	vst v61;
	vm10 =	vnez.u8 v3;
	v3 =	vsel vm1, $0x0, v1;
	vm1 =	vmor vm11, vm12  }
0xf0: {  	vm14 =	veq.s32 v2, $0xD;
	vm0 =	vmor vm10, vm9;
	[tilespmem:s11+$0x6100] =	vst v3;
	v3 =	vsel vm1, $0x0, v1  }
0xf1: {  	vm13 =	veq.s32 v2, $0xE;
	vm1 =	vmor vm8, vm14;
	v62 =	vsel vm0, $0x0, v1;
	[tilespmem:s11+$0x6200] =	vst v3  }
0xf2: {  	vm15 =	veq.s32 v2, $0xF;
	vm0 =	vmor vm7, vm13;
	v2 =	vsel vm1, $0x0, v1;
	[tilespmem:s11+$0x6180] =	vst v62  }
0xf3: {  	s10 =	sadd.s32 $0x1, s10;
	v63 =	vsel vm0, $0x0, v1;
	vm0 =	vmor vm6, vm15;
	[tilespmem:s11+$0x6280] =	vst v2  }
0xf4: {  	p0 =	sne.s32 s10, s6;
	[tilespmem:s11+$0x6300] =	vst v63;
	v3 =	vsel vm0, $0x0, v1  }
.Ltmp1:
0xf5: {  	[tilespmem:s13+$0x4000] =	vst v3;
	(pc) =	sbr.rel @p0 .LBB2_1-.Ltmp1, $4  }
0xf6: {  	[hbm4b:s5+s7] =	stream.strided.scatter [tilespmem:s8], [sflag:$0x1], $0x4000, s8, s7, $0x38;
	[tilespmem:$0x8000] =	vst v63  }
0xf7: {  	_ =	swait.ge [sflag:s9], $0x4000  }
0xf8: {  	[sflag:s9] =	ssyncset.done $0x0  }
0xf9: {  	[sflag:s9] =	ssyncadd.s32 $0xFFFFC000  }
0xfa: {  	_ =	sfence.sel $0x180000  }
0xfb: {  	[bflag:$0x0] =	sbarrier.arrive $0xFFFF  }
0xfc: {  	p0 =	sne.s32 s1, $0x0;
	_ =	strace $0x90000047  }
0xfd: {  	s0 =	sadd.s32 @!p0 $0x100000, s0;
	[bflag:$0x2] =	sbarrier.arrive $0xFFFF  }
0xfe: {  	[sflag:s0] =	ssyncadd.tile.s32 @!p0 $0x1;
	_ =	shalt  }
.Lfunc_end2:
_tile_overlayer_lowered:
.L_overlay_start_2:
0xff: {  	(tag) =	ssettag $0x2  }
0x100: {  	s0 =	rddreg [dreg:$0x0];
	s2 =	stileid.u32  }
0x101: {  	s1 =	rddreg [dreg:$0x1];
	p0 =	sne.s32 s2, $0x0  }
0x102: {  	s3 =	rddreg [dreg:$0x2];
	[bflag:$0x3] =	sbarrier.arrive $0xFFFF;
	s2 =	simm.s32 @!p0 $0x1C01  }
0x103: {  	[timem:s3], [sflag:s2] =	dma.local @!p0 [hbm:s0], s1  }
0x104: {  	s0 =	simm.s32 @!p0 $0x1  }
0x105: {  	_ =	swait.ge @!p0 [sflag:s0], s1  }
0x106: {  	s1 =	ssub.s32 @!p0 $0x0, s1;
	[sflag:s0] =	ssyncset.done @!p0 $0x0  }
0x107: {  	[sflag:s0] =	ssyncadd.s32 @!p0 s1  }
0x108: {  	[bflag:$0x3] =	sbarrier.arrive $0xFFFF  }
0x109: {  	_ =	shalt  }

</sc_bundles>
